<compile_context>
chip_gen: v7x
topology: tpu7x:2x2x1
jax: 0.10.2.dev20260603
libtpu: 0.0.44.dev20260713+nightly
codegen_flags: <defaults>
</compile_context>

<pallas_src>
import functools

import jax
import jax.numpy as jnp
import numpy as np
from jax import lax
from jax.experimental import pallas as pl
from jax.experimental.pallas import tpu as pltpu
from jax.experimental.pallas import tpu_sc as plsc

_B = 4096
_H = 1024
_D = 256
_NHASH = 16
_NBUCKETS = 1024
_WBUCKET = 4.0
_LANES = 128

_PRIMES = np.array(
    [3, 7, 11, 13, 17, 19, 23, 29, 31, 37, 41, 43, 47, 53, 59, 61],
    dtype=np.int32,
)


_ROWS_A = 512
_GRID_A = _B // _ROWS_A


def _stage_a(x_ref, w_ref, bc_ref, r_ref, blc_ref, pc_ref, outT_ref, bk_ref, h_ref):
    zT = lax.dot_general(
        w_ref[...], x_ref[...], (((0,), (1,)), ((), ())),
        preferred_element_type=jnp.float32,
    )
    outT = jnp.tanh(zT + bc_ref[...])
    outT_ref[...] = outT
    projT = (
        lax.dot_general(
            r_ref[...], outT, (((0,), (0,)), ((), ())),
            preferred_element_type=jnp.float32,
        )
        + blc_ref[...]
    )
    codesT = jnp.floor(projT / _WBUCKET)
    codesT = codesT.astype(jnp.int32).astype(jnp.float32)
    s_col = lax.dot_general(
        codesT, pc_ref[...], (((0,), (1,)), ((), ())),
        preferred_element_type=jnp.float32,
    )
    bk = jnp.mod(s_col.astype(jnp.int32), _NBUCKETS)
    bk_ref[...] = bk
    cols = lax.broadcasted_iota(jnp.int32, (1, _NBUCKETS), 1)
    onehot = jnp.where(bk == cols, 1.0, 0.0)
    h_ref[...] = jnp.sum(onehot, axis=0, keepdims=True).reshape(1, 1, _NBUCKETS)


def _run_stage_a(x, W, bc, Rp, blc, pc):
    return pl.pallas_call(
        _stage_a,
        grid=(_GRID_A,),
        in_specs=[
            pl.BlockSpec((_ROWS_A, _H), lambda i: (i, 0)),
            pl.BlockSpec((_H, _D), lambda i: (0, 0)),
            pl.BlockSpec((_D, 1), lambda i: (0, 0)),
            pl.BlockSpec((_D, _LANES), lambda i: (0, 0)),
            pl.BlockSpec((_LANES, 1), lambda i: (0, 0)),
            pl.BlockSpec((1, _LANES), lambda i: (0, 0)),
        ],
        out_specs=[
            pl.BlockSpec((_D, _ROWS_A), lambda i: (0, i)),
            pl.BlockSpec((_ROWS_A, 1), lambda i: (i, 0)),
            pl.BlockSpec((1, 1, _NBUCKETS), lambda i: (i, 0, 0)),
        ],
        out_shape=[
            jax.ShapeDtypeStruct((_D, _B), jnp.float32),
            jax.ShapeDtypeStruct((_B, 1), jnp.int32),
            jax.ShapeDtypeStruct((_GRID_A, 1, _NBUCKETS), jnp.float32),
        ],
    )(x, W, bc, Rp, blc, pc)



_NC = 2
_NS = 16
_RPH = _B // _NC
_CG = _D // _NS


_TBL = _CG * _NBUCKETS


def _sc_body(outT_hbm, bk_hbm, sums_out, bk_v, rowsT_v, tbl, sem_b, sem_r):
    cid = lax.axis_index("c")
    sid = lax.axis_index("s")
    rbase = cid * _RPH
    cbase = sid * _CG

    lanes = jnp.arange(_CG, dtype=jnp.int32)
    lane_rows = lanes * _RPH
    lane_tbl = lanes * _NBUCKETS

    cp_b = pltpu.async_copy(bk_hbm.at[pl.ds(rbase, _RPH)], bk_v, sem_b)
    cp_r = []
    for c in range(_CG):
        cp_r.append(pltpu.async_copy(
            outT_hbm.at[cbase + c, pl.ds(rbase, _RPH)],
            rowsT_v.at[pl.ds(c * _RPH, _RPH)],
            sem_r,
        ))

    zeros16 = jnp.zeros((16,), jnp.float32)

    @plsc.parallel_loop(0, _TBL // 16, unroll=8)
    def _zrow(i):
        tbl[pl.ds(i * 16, 16)] = zeros16

    cp_b.wait()
    for cp in cp_r:
        cp.wait()

    @plsc.parallel_loop(0, _RPH // 16, unroll=2)
    def _chunk(k):
        bvec = bk_v[pl.ds(k * 16, 16)]
        for j in range(16):
            r = k * 16 + j
            b = bvec[j]
            val = plsc.load_gather(rowsT_v, [lane_rows + r])
            plsc.addupdate_scatter(tbl, [lane_tbl + b], val)

    pltpu.sync_copy(tbl, sums_out.at[pl.ds(cid * _D * _NBUCKETS + sid * _TBL, _TBL)])


def _run_stage_sc(outT, bucket):
    mesh = plsc.VectorSubcoreMesh(core_axis_name="c", subcore_axis_name="s")
    f = functools.partial(
        pl.kernel,
        out_type=jax.ShapeDtypeStruct((_NC * _D * _NBUCKETS,), jnp.float32),
        mesh=mesh,
        scratch_types=[
            pltpu.VMEM((_RPH,), jnp.int32),
            pltpu.VMEM((_CG * _RPH,), jnp.float32),
            pltpu.VMEM((_TBL,), jnp.float32),
            pltpu.SemaphoreType.DMA,
            pltpu.SemaphoreType.DMA,
        ],
        compiler_params=pltpu.CompilerParams(needs_layout_passes=False),
    )(_sc_body)
    return f(outT, bucket).reshape(_NC, _D, _NBUCKETS)



_ROWS_B = 512
_GRID_B = _B // _ROWS_B


def _stage_b(outT_ref, sums_ref, hist_ref, q_ref):
    sp = sums_ref[...]
    st = sp[0] + sp[1]
    cnt_row = jnp.sum(hist_ref[...][:, 0, :], axis=0, keepdims=True)
    means_t = st / jnp.maximum(cnt_row, 1.0)
    oT = outT_ref[...]
    dots = lax.dot_general(
        oT, means_t, (((0,), (0,)), ((), ())), preferred_element_type=jnp.float32
    )
    m2row = lax.dot_general(
        jnp.full((1, _D), 1.0, jnp.float32),
        means_t * means_t,
        (((1,), (0,)), ((), ())),
        preferred_element_type=jnp.float32,
        precision=lax.Precision.HIGHEST,
    )
    onorm = lax.dot_general(
        oT * oT,
        jnp.full((1, _D), 1.0, jnp.float32),
        (((0,), (1,)), ((), ())),
        preferred_element_type=jnp.float32,
        precision=lax.Precision.HIGHEST,
    )
    d2 = jnp.maximum(onorm + m2row - 2.0 * dots, 0.0)
    sim = jnp.where(cnt_row > 0.0, 1.0 / (1.0 + d2), 0.0)
    q_ref[...] = sim / jnp.sum(sim, axis=1, keepdims=True)


def _run_stage_b(outT, sums_p, hist):
    return pl.pallas_call(
        _stage_b,
        grid=(_GRID_B,),
        in_specs=[
            pl.BlockSpec((_D, _ROWS_B), lambda i: (0, i)),
            pl.BlockSpec((_NC, _D, _NBUCKETS), lambda i: (0, 0, 0)),
            pl.BlockSpec((_GRID_A, 1, _NBUCKETS), lambda i: (0, 0, 0)),
        ],
        out_specs=pl.BlockSpec((_ROWS_B, _NBUCKETS), lambda i: (i, 0)),
        out_shape=jax.ShapeDtypeStruct((_B, _NBUCKETS), jnp.float32),
    )(outT, sums_p, hist)


def kernel(x, W, b, R, bl):
    pad = _LANES - _NHASH
    Rp = jnp.pad(R, ((0, 0), (0, pad)))
    blc = jnp.pad(bl, ((0, pad),)).reshape(_LANES, 1)
    pc = jnp.pad(jnp.asarray(_PRIMES), ((0, pad),)).astype(jnp.float32).reshape(1, _LANES)
    bc = b.reshape(_D, 1)
    outT, bucket, hist = _run_stage_a(x, W, bc, Rp, blc, pc)
    sums_p = _run_stage_sc(outT, bucket.reshape(_B))
    return _run_stage_b(outT, sums_p, hist)

# --- scband reference (transcript-rebuilt; emitter-appended) ---
"""Pipeline reference for scband-generator-472446403253 (READ-ONLY COPY).

The authoritative reference and input builder live on the scoring server;
editing this copy changes nothing except your own understanding.
"""

import jax, jax.numpy as jnp
import numpy as np

B = 4096
HIDDEN_DIM = 1024
OUT_DIM = 256
N_HASH = 16
NUM_BUCKETS = 1024
W_BUCKET = 4.0

PRIMES = np.array([3, 7, 11, 13, 17, 19, 23, 29, 31, 37, 41, 43, 47, 53, 59, 61], dtype=np.int32)


def setup_inputs(seed: int = 0) -> dict:
    key = jax.random.key(seed)
    k0, k1, k2, k3 = jax.random.split(key, 4)
    x = jax.random.normal(k0, (B, HIDDEN_DIM), dtype=jnp.float32)
    # decoder params (make_decoder(hidden_dim, output_dim))
    W = jax.random.normal(k1, (HIDDEN_DIM, OUT_DIM), dtype=jnp.float32) / np.sqrt(HIDDEN_DIM)
    b = jnp.zeros((OUT_DIM,), dtype=jnp.float32)
    # LSH params (make_lsh(output_dim, w)): random projections + uniform offsets in [0, w)
    R = jax.random.normal(k2, (OUT_DIM, N_HASH), dtype=jnp.float32)
    bl = jax.random.uniform(k3, (N_HASH,), dtype=jnp.float32, minval=0.0, maxval=W_BUCKET)
    return {"x": x, "W": W, "b": b, "R": R, "bl": bl}


def reference(x, W, b, R, bl):
    # decoder: hidden -> output_dim
    out = jnp.tanh(x @ W + b)
    # LSH hash codes: floor((proj + offset) / w)  (E2LSH style)
    h = jax.lax.stop_gradient(out)
    codes = jnp.floor((h @ R + bl) / W_BUCKET).astype(jnp.int32)
    # combine per-table codes into a bucket id (get_clusters)
    primes = jnp.asarray(PRIMES)
    bucket = jnp.mod(jnp.sum(codes * primes, axis=1), NUM_BUCKETS)
    # cluster means per bucket (get_cluster_means)
    sums = jax.ops.segment_sum(out, bucket, num_segments=NUM_BUCKETS)
    counts = jax.ops.segment_sum(jnp.ones((out.shape[0],), out.dtype), bucket, num_segments=NUM_BUCKETS)
    means = sums / jnp.maximum(counts, 1.0)[:, None]
    # squared distances from every point to every cluster mean (knn-style distance matrix)
    d2 = (jnp.sum(out * out, axis=1)[:, None]
          + jnp.sum(means * means, axis=1)[None, :]
          - 2.0 * (out @ means.T))
    d2 = jnp.maximum(d2, 0.0)
    # soft cluster assignment q_s (Student-t kernel, DEC-style), masking empty buckets
    valid = (counts > 0.0)[None, :]
    sim = jnp.where(valid, 1.0 / (1.0 + d2), 0.0)
    q_s = sim / jnp.sum(sim, axis=1, keepdims=True)
    return q_s

if __name__ == "__main__":
    import jax
    _d = setup_inputs()
    print(jax.jit(kernel)(*tuple(_d.values())))

</pallas_src>

<mosaic_0001>
#map = affine_map<(d0, d1) -> (0, 0)>
#map1 = affine_map<(d0, d1) -> (0)>
module attributes {stable_mosaic.version = 14 : i64} {
  func.func @_sc_body(%arg0: i32, %arg1: i32, %arg2: memref<256x4096xf32, #tpu.memory_space<hbm>>, %arg3: memref<4096xi32, #tpu.memory_space<hbm>>, %arg4: memref<524288xf32, #tpu.memory_space<hbm>>, %arg5: memref<2048xi32, #tpu.memory_space<vmem>>, %arg6: memref<32768xf32, #tpu.memory_space<vmem>>, %arg7: memref<16384xf32, #tpu.memory_space<vmem>>, %arg8: memref<!tpu.dma_semaphore, #tpu.memory_space<semaphore_mem>>, %arg9: memref<!tpu.dma_semaphore, #tpu.memory_space<semaphore_mem>>) attributes {dimension_semantics = [#tpu.dimension_semantics<core_parallel>, #tpu.dimension_semantics<subcore_parallel>], iteration_bounds = array<i64: 2, 16>, scalar_prefetch = 0 : i64, scratch_operands = 5 : i64, tpu.core_type = #tpu.core_type<sc_vector_subcore>, window_params = [{transform_indices = #map}, {transform_indices = #map1}, {transform_indices = #map1}]} {
    %mul3A = arith.constant 2048 : i32
    %mul3A_0 = arith.muli %arg0, %mul3A : i32
    %mul3A_1 = arith.constant 16 : i32
    %mul3A_2 = arith.muli %arg1, %mul3A_1 : i32
    %iota3A = tpu.iota {dimensions = array<i32: 0>} : vector<16xi32>
    %mul3A_3 = arith.constant 2048 : i32
    %mul3A_4 = vector.broadcast %mul3A_3 : i32 to vector<16xi32>
    %mul3A_5 = arith.muli %iota3A, %mul3A_4 : vector<16xi32>
    %mul3A_6 = arith.constant 1024 : i32
    %mul3A_7 = vector.broadcast %mul3A_6 : i32 to vector<16xi32>
    %mul3A_8 = arith.muli %iota3A, %mul3A_7 : vector<16xi32>
    %dma_start3A = tpu.memref_slice %arg3[%mul3A_0] : memref<4096xi32, #tpu.memory_space<hbm>> -> memref<2048xi32, #tpu.memory_space<hbm>>
    %dma_start3A_9 = tpu.memref_slice %arg3[%mul3A_0] : memref<4096xi32, #tpu.memory_space<hbm>> -> memref<2048xi32, #tpu.memory_space<hbm>>
    tpu.enqueue_dma source(%dma_start3A_9 : memref<2048xi32, #tpu.memory_space<hbm>>) target(%arg5 : memref<2048xi32, #tpu.memory_space<vmem>>) target_semaphore(%arg8 : memref<!tpu.dma_semaphore, #tpu.memory_space<semaphore_mem>>)
    %add3A = arith.constant 0 : i32
    %add3A_10 = arith.addi %mul3A_2, %add3A : i32
    %dma_start3A_11 = arith.constant 0 : i32
    %dma_start3A_12 = tpu.memref_slice %arg6[%dma_start3A_11] : memref<32768xf32, #tpu.memory_space<vmem>> -> memref<2048xf32, #tpu.memory_space<vmem>>
    %dma_start3A_13 = tpu.memref_slice %arg2[%add3A_10, %mul3A_0] : memref<256x4096xf32, #tpu.memory_space<hbm>> -> memref<1x2048xf32, #tpu.memory_space<hbm>>
    %dma_start3A_14 = tpu.memref_squeeze %dma_start3A_13 : memref<1x2048xf32, #tpu.memory_space<hbm>> -> memref<2048xf32, #tpu.memory_space<hbm>>
    %dma_start3A_15 = arith.constant 0 : i32
    %dma_start3A_16 = tpu.memref_slice %arg6[%dma_start3A_15] : memref<32768xf32, #tpu.memory_space<vmem>> -> memref<2048xf32, #tpu.memory_space<vmem>>
    %dma_start3A_17 = tpu.memref_slice %arg2[%add3A_10, %mul3A_0] : memref<256x4096xf32, #tpu.memory_space<hbm>> -> memref<1x2048xf32, #tpu.memory_space<hbm>>
    %dma_start3A_18 = tpu.memref_squeeze %dma_start3A_17 : memref<1x2048xf32, #tpu.memory_space<hbm>> -> memref<2048xf32, #tpu.memory_space<hbm>>
    tpu.enqueue_dma source(%dma_start3A_18 : memref<2048xf32, #tpu.memory_space<hbm>>) target(%dma_start3A_16 : memref<2048xf32, #tpu.memory_space<vmem>>) target_semaphore(%arg9 : memref<!tpu.dma_semaphore, #tpu.memory_space<semaphore_mem>>)
    %add3A_19 = arith.constant 1 : i32
    %add3A_20 = arith.addi %mul3A_2, %add3A_19 : i32
    %dma_start3A_21 = arith.constant 2048 : i32
    %dma_start3A_22 = tpu.memref_slice %arg6[%dma_start3A_21] : memref<32768xf32, #tpu.memory_space<vmem>> -> memref<2048xf32, #tpu.memory_space<vmem>>
    %dma_start3A_23 = tpu.memref_slice %arg2[%add3A_20, %mul3A_0] : memref<256x4096xf32, #tpu.memory_space<hbm>> -> memref<1x2048xf32, #tpu.memory_space<hbm>>
    %dma_start3A_24 = tpu.memref_squeeze %dma_start3A_23 : memref<1x2048xf32, #tpu.memory_space<hbm>> -> memref<2048xf32, #tpu.memory_space<hbm>>
    %dma_start3A_25 = arith.constant 2048 : i32
    %dma_start3A_26 = tpu.memref_slice %arg6[%dma_start3A_25] : memref<32768xf32, #tpu.memory_space<vmem>> -> memref<2048xf32, #tpu.memory_space<vmem>>
    %dma_start3A_27 = tpu.memref_slice %arg2[%add3A_20, %mul3A_0] : memref<256x4096xf32, #tpu.memory_space<hbm>> -> memref<1x2048xf32, #tpu.memory_space<hbm>>
    %dma_start3A_28 = tpu.memref_squeeze %dma_start3A_27 : memref<1x2048xf32, #tpu.memory_space<hbm>> -> memref<2048xf32, #tpu.memory_space<hbm>>
    tpu.enqueue_dma source(%dma_start3A_28 : memref<2048xf32, #tpu.memory_space<hbm>>) target(%dma_start3A_26 : memref<2048xf32, #tpu.memory_space<vmem>>) target_semaphore(%arg9 : memref<!tpu.dma_semaphore, #tpu.memory_space<semaphore_mem>>)
    %add3A_29 = arith.constant 2 : i32
    %add3A_30 = arith.addi %mul3A_2, %add3A_29 : i32
    %dma_start3A_31 = arith.constant 4096 : i32
    %dma_start3A_32 = tpu.memref_slice %arg6[%dma_start3A_31] : memref<32768xf32, #tpu.memory_space<vmem>> -> memref<2048xf32, #tpu.memory_space<vmem>>
    %dma_start3A_33 = tpu.memref_slice %arg2[%add3A_30, %mul3A_0] : memref<256x4096xf32, #tpu.memory_space<hbm>> -> memref<1x2048xf32, #tpu.memory_space<hbm>>
    %dma_start3A_34 = tpu.memref_squeeze %dma_start3A_33 : memref<1x2048xf32, #tpu.memory_space<hbm>> -> memref<2048xf32, #tpu.memory_space<hbm>>
    %dma_start3A_35 = arith.constant 4096 : i32
    %dma_start3A_36 = tpu.memref_slice %arg6[%dma_start3A_35] : memref<32768xf32, #tpu.memory_space<vmem>> -> memref<2048xf32, #tpu.memory_space<vmem>>
    %dma_start3A_37 = tpu.memref_slice %arg2[%add3A_30, %mul3A_0] : memref<256x4096xf32, #tpu.memory_space<hbm>> -> memref<1x2048xf32, #tpu.memory_space<hbm>>
    %dma_start3A_38 = tpu.memref_squeeze %dma_start3A_37 : memref<1x2048xf32, #tpu.memory_space<hbm>> -> memref<2048xf32, #tpu.memory_space<hbm>>
    tpu.enqueue_dma source(%dma_start3A_38 : memref<2048xf32, #tpu.memory_space<hbm>>) target(%dma_start3A_36 : memref<2048xf32, #tpu.memory_space<vmem>>) target_semaphore(%arg9 : memref<!tpu.dma_semaphore, #tpu.memory_space<semaphore_mem>>)
    %add3A_39 = arith.constant 3 : i32
    %add3A_40 = arith.addi %mul3A_2, %add3A_39 : i32
    %dma_start3A_41 = arith.constant 6144 : i32
    %dma_start3A_42 = tpu.memref_slice %arg6[%dma_start3A_41] : memref<32768xf32, #tpu.memory_space<vmem>> -> memref<2048xf32, #tpu.memory_space<vmem>>
    %dma_start3A_43 = tpu.memref_slice %arg2[%add3A_40, %mul3A_0] : memref<256x4096xf32, #tpu.memory_space<hbm>> -> memref<1x2048xf32, #tpu.memory_space<hbm>>
    %dma_start3A_44 = tpu.memref_squeeze %dma_start3A_43 : memref<1x2048xf32, #tpu.memory_space<hbm>> -> memref<2048xf32, #tpu.memory_space<hbm>>
    %dma_start3A_45 = arith.constant 6144 : i32
    %dma_start3A_46 = tpu.memref_slice %arg6[%dma_start3A_45] : memref<32768xf32, #tpu.memory_space<vmem>> -> memref<2048xf32, #tpu.memory_space<vmem>>
    %dma_start3A_47 = tpu.memref_slice %arg2[%add3A_40, %mul3A_0] : memref<256x4096xf32, #tpu.memory_space<hbm>> -> memref<1x2048xf32, #tpu.memory_space<hbm>>
    %dma_start3A_48 = tpu.memref_squeeze %dma_start3A_47 : memref<1x2048xf32, #tpu.memory_space<hbm>> -> memref<2048xf32, #tpu.memory_space<hbm>>
    tpu.enqueue_dma source(%dma_start3A_48 : memref<2048xf32, #tpu.memory_space<hbm>>) target(%dma_start3A_46 : memref<2048xf32, #tpu.memory_space<vmem>>) target_semaphore(%arg9 : memref<!tpu.dma_semaphore, #tpu.memory_space<semaphore_mem>>)
    %add3A_49 = arith.constant 4 : i32
    %add3A_50 = arith.addi %mul3A_2, %add3A_49 : i32
    %dma_start3A_51 = arith.constant 8192 : i32
    %dma_start3A_52 = tpu.memref_slice %arg6[%dma_start3A_51] : memref<32768xf32, #tpu.memory_space<vmem>> -> memref<2048xf32, #tpu.memory_space<vmem>>
    %dma_start3A_53 = tpu.memref_slice %arg2[%add3A_50, %mul3A_0] : memref<256x4096xf32, #tpu.memory_space<hbm>> -> memref<1x2048xf32, #tpu.memory_space<hbm>>
    %dma_start3A_54 = tpu.memref_squeeze %dma_start3A_53 : memref<1x2048xf32, #tpu.memory_space<hbm>> -> memref<2048xf32, #tpu.memory_space<hbm>>
    %dma_start3A_55 = arith.constant 8192 : i32
    %dma_start3A_56 = tpu.memref_slice %arg6[%dma_start3A_55] : memref<32768xf32, #tpu.memory_space<vmem>> -> memref<2048xf32, #tpu.memory_space<vmem>>
    %dma_start3A_57 = tpu.memref_slice %arg2[%add3A_50, %mul3A_0] : memref<256x4096xf32, #tpu.memory_space<hbm>> -> memref<1x2048xf32, #tpu.memory_space<hbm>>
    %dma_start3A_58 = tpu.memref_squeeze %dma_start3A_57 : memref<1x2048xf32, #tpu.memory_space<hbm>> -> memref<2048xf32, #tpu.memory_space<hbm>>
    tpu.enqueue_dma source(%dma_start3A_58 : memref<2048xf32, #tpu.memory_space<hbm>>) target(%dma_start3A_56 : memref<2048xf32, #tpu.memory_space<vmem>>) target_semaphore(%arg9 : memref<!tpu.dma_semaphore, #tpu.memory_space<semaphore_mem>>)
    %add3A_59 = arith.constant 5 : i32
    %add3A_60 = arith.addi %mul3A_2, %add3A_59 : i32
    %dma_start3A_61 = arith.constant 10240 : i32
    %dma_start3A_62 = tpu.memref_slice %arg6[%dma_start3A_61] : memref<32768xf32, #tpu.memory_space<vmem>> -> memref<2048xf32, #tpu.memory_space<vmem>>
    %dma_start3A_63 = tpu.memref_slice %arg2[%add3A_60, %mul3A_0] : memref<256x4096xf32, #tpu.memory_space<hbm>> -> memref<1x2048xf32, #tpu.memory_space<hbm>>
    %dma_start3A_64 = tpu.memref_squeeze %dma_start3A_63 : memref<1x2048xf32, #tpu.memory_space<hbm>> -> memref<2048xf32, #tpu.memory_space<hbm>>
    %dma_start3A_65 = arith.constant 10240 : i32
    %dma_start3A_66 = tpu.memref_slice %arg6[%dma_start3A_65] : memref<32768xf32, #tpu.memory_space<vmem>> -> memref<2048xf32, #tpu.memory_space<vmem>>
    %dma_start3A_67 = tpu.memref_slice %arg2[%add3A_60, %mul3A_0] : memref<256x4096xf32, #tpu.memory_space<hbm>> -> memref<1x2048xf32, #tpu.memory_space<hbm>>
    %dma_start3A_68 = tpu.memref_squeeze %dma_start3A_67 : memref<1x2048xf32, #tpu.memory_space<hbm>> -> memref<2048xf32, #tpu.memory_space<hbm>>
    tpu.enqueue_dma source(%dma_start3A_68 : memref<2048xf32, #tpu.memory_space<hbm>>) target(%dma_start3A_66 : memref<2048xf32, #tpu.memory_space<vmem>>) target_semaphore(%arg9 : memref<!tpu.dma_semaphore, #tpu.memory_space<semaphore_mem>>)
    %add3A_69 = arith.constant 6 : i32
    %add3A_70 = arith.addi %mul3A_2, %add3A_69 : i32
    %dma_start3A_71 = arith.constant 12288 : i32
    %dma_start3A_72 = tpu.memref_slice %arg6[%dma_start3A_71] : memref<32768xf32, #tpu.memory_space<vmem>> -> memref<2048xf32, #tpu.memory_space<vmem>>
    %dma_start3A_73 = tpu.memref_slice %arg2[%add3A_70, %mul3A_0] : memref<256x4096xf32, #tpu.memory_space<hbm>> -> memref<1x2048xf32, #tpu.memory_space<hbm>>
    %dma_start3A_74 = tpu.memref_squeeze %dma_start3A_73 : memref<1x2048xf32, #tpu.memory_space<hbm>> -> memref<2048xf32, #tpu.memory_space<hbm>>
    %dma_start3A_75 = arith.constant 12288 : i32
    %dma_start3A_76 = tpu.memref_slice %arg6[%dma_start3A_75] : memref<32768xf32, #tpu.memory_space<vmem>> -> memref<2048xf32, #tpu.memory_space<vmem>>
    %dma_start3A_77 = tpu.memref_slice %arg2[%add3A_70, %mul3A_0] : memref<256x4096xf32, #tpu.memory_space<hbm>> -> memref<1x2048xf32, #tpu.memory_space<hbm>>
    %dma_start3A_78 = tpu.memref_squeeze %dma_start3A_77 : memref<1x2048xf32, #tpu.memory_space<hbm>> -> memref<2048xf32, #tpu.memory_space<hbm>>
    tpu.enqueue_dma source(%dma_start3A_78 : memref<2048xf32, #tpu.memory_space<hbm>>) target(%dma_start3A_76 : memref<2048xf32, #tpu.memory_space<vmem>>) target_semaphore(%arg9 : memref<!tpu.dma_semaphore, #tpu.memory_space<semaphore_mem>>)
    %add3A_79 = arith.constant 7 : i32
    %add3A_80 = arith.addi %mul3A_2, %add3A_79 : i32
    %dma_start3A_81 = arith.constant 14336 : i32
    %dma_start3A_82 = tpu.memref_slice %arg6[%dma_start3A_81] : memref<32768xf32, #tpu.memory_space<vmem>> -> memref<2048xf32, #tpu.memory_space<vmem>>
    %dma_start3A_83 = tpu.memref_slice %arg2[%add3A_80, %mul3A_0] : memref<256x4096xf32, #tpu.memory_space<hbm>> -> memref<1x2048xf32, #tpu.memory_space<hbm>>
    %dma_start3A_84 = tpu.memref_squeeze %dma_start3A_83 : memref<1x2048xf32, #tpu.memory_space<hbm>> -> memref<2048xf32, #tpu.memory_space<hbm>>
    %dma_start3A_85 = arith.constant 14336 : i32
    %dma_start3A_86 = tpu.memref_slice %arg6[%dma_start3A_85] : memref<32768xf32, #tpu.memory_space<vmem>> -> memref<2048xf32, #tpu.memory_space<vmem>>
    %dma_start3A_87 = tpu.memref_slice %arg2[%add3A_80, %mul3A_0] : memref<256x4096xf32, #tpu.memory_space<hbm>> -> memref<1x2048xf32, #tpu.memory_space<hbm>>
    %dma_start3A_88 = tpu.memref_squeeze %dma_start3A_87 : memref<1x2048xf32, #tpu.memory_space<hbm>> -> memref<2048xf32, #tpu.memory_space<hbm>>
    tpu.enqueue_dma source(%dma_start3A_88 : memref<2048xf32, #tpu.memory_space<hbm>>) target(%dma_start3A_86 : memref<2048xf32, #tpu.memory_space<vmem>>) target_semaphore(%arg9 : memref<!tpu.dma_semaphore, #tpu.memory_space<semaphore_mem>>)
    %add3A_89 = arith.constant 8 : i32
    %add3A_90 = arith.addi %mul3A_2, %add3A_89 : i32
    %dma_start3A_91 = arith.constant 16384 : i32
    %dma_start3A_92 = tpu.memref_slice %arg6[%dma_start3A_91] : memref<32768xf32, #tpu.memory_space<vmem>> -> memref<2048xf32, #tpu.memory_space<vmem>>
    %dma_start3A_93 = tpu.memref_slice %arg2[%add3A_90, %mul3A_0] : memref<256x4096xf32, #tpu.memory_space<hbm>> -> memref<1x2048xf32, #tpu.memory_space<hbm>>
    %dma_start3A_94 = tpu.memref_squeeze %dma_start3A_93 : memref<1x2048xf32, #tpu.memory_space<hbm>> -> memref<2048xf32, #tpu.memory_space<hbm>>
    %dma_start3A_95 = arith.constant 16384 : i32
    %dma_start3A_96 = tpu.memref_slice %arg6[%dma_start3A_95] : memref<32768xf32, #tpu.memory_space<vmem>> -> memref<2048xf32, #tpu.memory_space<vmem>>
    %dma_start3A_97 = tpu.memref_slice %arg2[%add3A_90, %mul3A_0] : memref<256x4096xf32, #tpu.memory_space<hbm>> -> memref<1x2048xf32, #tpu.memory_space<hbm>>
    %dma_start3A_98 = tpu.memref_squeeze %dma_start3A_97 : memref<1x2048xf32, #tpu.memory_space<hbm>> -> memref<2048xf32, #tpu.memory_space<hbm>>
    tpu.enqueue_dma source(%dma_start3A_98 : memref<2048xf32, #tpu.memory_space<hbm>>) target(%dma_start3A_96 : memref<2048xf32, #tpu.memory_space<vmem>>) target_semaphore(%arg9 : memref<!tpu.dma_semaphore, #tpu.memory_space<semaphore_mem>>)
    %add3A_99 = arith.constant 9 : i32
    %add3A_100 = arith.addi %mul3A_2, %add3A_99 : i32
    %dma_start3A_101 = arith.constant 18432 : i32
    %dma_start3A_102 = tpu.memref_slice %arg6[%dma_start3A_101] : memref<32768xf32, #tpu.memory_space<vmem>> -> memref<2048xf32, #tpu.memory_space<vmem>>
    %dma_start3A_103 = tpu.memref_slice %arg2[%add3A_100, %mul3A_0] : memref<256x4096xf32, #tpu.memory_space<hbm>> -> memref<1x2048xf32, #tpu.memory_space<hbm>>
    %dma_start3A_104 = tpu.memref_squeeze %dma_start3A_103 : memref<1x2048xf32, #tpu.memory_space<hbm>> -> memref<2048xf32, #tpu.memory_space<hbm>>
    %dma_start3A_105 = arith.constant 18432 : i32
    %dma_start3A_106 = tpu.memref_slice %arg6[%dma_start3A_105] : memref<32768xf32, #tpu.memory_space<vmem>> -> memref<2048xf32, #tpu.memory_space<vmem>>
    %dma_start3A_107 = tpu.memref_slice %arg2[%add3A_100, %mul3A_0] : memref<256x4096xf32, #tpu.memory_space<hbm>> -> memref<1x2048xf32, #tpu.memory_space<hbm>>
    %dma_start3A_108 = tpu.memref_squeeze %dma_start3A_107 : memref<1x2048xf32, #tpu.memory_space<hbm>> -> memref<2048xf32, #tpu.memory_space<hbm>>
    tpu.enqueue_dma source(%dma_start3A_108 : memref<2048xf32, #tpu.memory_space<hbm>>) target(%dma_start3A_106 : memref<2048xf32, #tpu.memory_space<vmem>>) target_semaphore(%arg9 : memref<!tpu.dma_semaphore, #tpu.memory_space<semaphore_mem>>)
    %add3A_109 = arith.constant 10 : i32
    %add3A_110 = arith.addi %mul3A_2, %add3A_109 : i32
    %dma_start3A_111 = arith.constant 20480 : i32
    %dma_start3A_112 = tpu.memref_slice %arg6[%dma_start3A_111] : memref<32768xf32, #tpu.memory_space<vmem>> -> memref<2048xf32, #tpu.memory_space<vmem>>
    %dma_start3A_113 = tpu.memref_slice %arg2[%add3A_110, %mul3A_0] : memref<256x4096xf32, #tpu.memory_space<hbm>> -> memref<1x2048xf32, #tpu.memory_space<hbm>>
    %dma_start3A_114 = tpu.memref_squeeze %dma_start3A_113 : memref<1x2048xf32, #tpu.memory_space<hbm>> -> memref<2048xf32, #tpu.memory_space<hbm>>
    %dma_start3A_115 = arith.constant 20480 : i32
    %dma_start3A_116 = tpu.memref_slice %arg6[%dma_start3A_115] : memref<32768xf32, #tpu.memory_space<vmem>> -> memref<2048xf32, #tpu.memory_space<vmem>>
    %dma_start3A_117 = tpu.memref_slice %arg2[%add3A_110, %mul3A_0] : memref<256x4096xf32, #tpu.memory_space<hbm>> -> memref<1x2048xf32, #tpu.memory_space<hbm>>
    %dma_start3A_118 = tpu.memref_squeeze %dma_start3A_117 : memref<1x2048xf32, #tpu.memory_space<hbm>> -> memref<2048xf32, #tpu.memory_space<hbm>>
    tpu.enqueue_dma source(%dma_start3A_118 : memref<2048xf32, #tpu.memory_space<hbm>>) target(%dma_start3A_116 : memref<2048xf32, #tpu.memory_space<vmem>>) target_semaphore(%arg9 : memref<!tpu.dma_semaphore, #tpu.memory_space<semaphore_mem>>)
    %add3A_119 = arith.constant 11 : i32
    %add3A_120 = arith.addi %mul3A_2, %add3A_119 : i32
    %dma_start3A_121 = arith.constant 22528 : i32
    %dma_start3A_122 = tpu.memref_slice %arg6[%dma_start3A_121] : memref<32768xf32, #tpu.memory_space<vmem>> -> memref<2048xf32, #tpu.memory_space<vmem>>
    %dma_start3A_123 = tpu.memref_slice %arg2[%add3A_120, %mul3A_0] : memref<256x4096xf32, #tpu.memory_space<hbm>> -> memref<1x2048xf32, #tpu.memory_space<hbm>>
    %dma_start3A_124 = tpu.memref_squeeze %dma_start3A_123 : memref<1x2048xf32, #tpu.memory_space<hbm>> -> memref<2048xf32, #tpu.memory_space<hbm>>
    %dma_start3A_125 = arith.constant 22528 : i32
    %dma_start3A_126 = tpu.memref_slice %arg6[%dma_start3A_125] : memref<32768xf32, #tpu.memory_space<vmem>> -> memref<2048xf32, #tpu.memory_space<vmem>>
    %dma_start3A_127 = tpu.memref_slice %arg2[%add3A_120, %mul3A_0] : memref<256x4096xf32, #tpu.memory_space<hbm>> -> memref<1x2048xf32, #tpu.memory_space<hbm>>
    %dma_start3A_128 = tpu.memref_squeeze %dma_start3A_127 : memref<1x2048xf32, #tpu.memory_space<hbm>> -> memref<2048xf32, #tpu.memory_space<hbm>>
    tpu.enqueue_dma source(%dma_start3A_128 : memref<2048xf32, #tpu.memory_space<hbm>>) target(%dma_start3A_126 : memref<2048xf32, #tpu.memory_space<vmem>>) target_semaphore(%arg9 : memref<!tpu.dma_semaphore, #tpu.memory_space<semaphore_mem>>)
    %add3A_129 = arith.constant 12 : i32
    %add3A_130 = arith.addi %mul3A_2, %add3A_129 : i32
    %dma_start3A_131 = arith.constant 24576 : i32
    %dma_start3A_132 = tpu.memref_slice %arg6[%dma_start3A_131] : memref<32768xf32, #tpu.memory_space<vmem>> -> memref<2048xf32, #tpu.memory_space<vmem>>
    %dma_start3A_133 = tpu.memref_slice %arg2[%add3A_130, %mul3A_0] : memref<256x4096xf32, #tpu.memory_space<hbm>> -> memref<1x2048xf32, #tpu.memory_space<hbm>>
    %dma_start3A_134 = tpu.memref_squeeze %dma_start3A_133 : memref<1x2048xf32, #tpu.memory_space<hbm>> -> memref<2048xf32, #tpu.memory_space<hbm>>
    %dma_start3A_135 = arith.constant 24576 : i32
    %dma_start3A_136 = tpu.memref_slice %arg6[%dma_start3A_135] : memref<32768xf32, #tpu.memory_space<vmem>> -> memref<2048xf32, #tpu.memory_space<vmem>>
    %dma_start3A_137 = tpu.memref_slice %arg2[%add3A_130, %mul3A_0] : memref<256x4096xf32, #tpu.memory_space<hbm>> -> memref<1x2048xf32, #tpu.memory_space<hbm>>
    %dma_start3A_138 = tpu.memref_squeeze %dma_start3A_137 : memref<1x2048xf32, #tpu.memory_space<hbm>> -> memref<2048xf32, #tpu.memory_space<hbm>>
    tpu.enqueue_dma source(%dma_start3A_138 : memref<2048xf32, #tpu.memory_space<hbm>>) target(%dma_start3A_136 : memref<2048xf32, #tpu.memory_space<vmem>>) target_semaphore(%arg9 : memref<!tpu.dma_semaphore, #tpu.memory_space<semaphore_mem>>)
    %add3A_139 = arith.constant 13 : i32
    %add3A_140 = arith.addi %mul3A_2, %add3A_139 : i32
    %dma_start3A_141 = arith.constant 26624 : i32
    %dma_start3A_142 = tpu.memref_slice %arg6[%dma_start3A_141] : memref<32768xf32, #tpu.memory_space<vmem>> -> memref<2048xf32, #tpu.memory_space<vmem>>
    %dma_start3A_143 = tpu.memref_slice %arg2[%add3A_140, %mul3A_0] : memref<256x4096xf32, #tpu.memory_space<hbm>> -> memref<1x2048xf32, #tpu.memory_space<hbm>>
    %dma_start3A_144 = tpu.memref_squeeze %dma_start3A_143 : memref<1x2048xf32, #tpu.memory_space<hbm>> -> memref<2048xf32, #tpu.memory_space<hbm>>
    %dma_start3A_145 = arith.constant 26624 : i32
    %dma_start3A_146 = tpu.memref_slice %arg6[%dma_start3A_145] : memref<32768xf32, #tpu.memory_space<vmem>> -> memref<2048xf32, #tpu.memory_space<vmem>>
    %dma_start3A_147 = tpu.memref_slice %arg2[%add3A_140, %mul3A_0] : memref<256x4096xf32, #tpu.memory_space<hbm>> -> memref<1x2048xf32, #tpu.memory_space<hbm>>
    %dma_start3A_148 = tpu.memref_squeeze %dma_start3A_147 : memref<1x2048xf32, #tpu.memory_space<hbm>> -> memref<2048xf32, #tpu.memory_space<hbm>>
    tpu.enqueue_dma source(%dma_start3A_148 : memref<2048xf32, #tpu.memory_space<hbm>>) target(%dma_start3A_146 : memref<2048xf32, #tpu.memory_space<vmem>>) target_semaphore(%arg9 : memref<!tpu.dma_semaphore, #tpu.memory_space<semaphore_mem>>)
    %add3A_149 = arith.constant 14 : i32
    %add3A_150 = arith.addi %mul3A_2, %add3A_149 : i32
    %dma_start3A_151 = arith.constant 28672 : i32
    %dma_start3A_152 = tpu.memref_slice %arg6[%dma_start3A_151] : memref<32768xf32, #tpu.memory_space<vmem>> -> memref<2048xf32, #tpu.memory_space<vmem>>
    %dma_start3A_153 = tpu.memref_slice %arg2[%add3A_150, %mul3A_0] : memref<256x4096xf32, #tpu.memory_space<hbm>> -> memref<1x2048xf32, #tpu.memory_space<hbm>>
    %dma_start3A_154 = tpu.memref_squeeze %dma_start3A_153 : memref<1x2048xf32, #tpu.memory_space<hbm>> -> memref<2048xf32, #tpu.memory_space<hbm>>
    %dma_start3A_155 = arith.constant 28672 : i32
    %dma_start3A_156 = tpu.memref_slice %arg6[%dma_start3A_155] : memref<32768xf32, #tpu.memory_space<vmem>> -> memref<2048xf32, #tpu.memory_space<vmem>>
    %dma_start3A_157 = tpu.memref_slice %arg2[%add3A_150, %mul3A_0] : memref<256x4096xf32, #tpu.memory_space<hbm>> -> memref<1x2048xf32, #tpu.memory_space<hbm>>
    %dma_start3A_158 = tpu.memref_squeeze %dma_start3A_157 : memref<1x2048xf32, #tpu.memory_space<hbm>> -> memref<2048xf32, #tpu.memory_space<hbm>>
    tpu.enqueue_dma source(%dma_start3A_158 : memref<2048xf32, #tpu.memory_space<hbm>>) target(%dma_start3A_156 : memref<2048xf32, #tpu.memory_space<vmem>>) target_semaphore(%arg9 : memref<!tpu.dma_semaphore, #tpu.memory_space<semaphore_mem>>)
    %add3A_159 = arith.constant 15 : i32
    %add3A_160 = arith.addi %mul3A_2, %add3A_159 : i32
    %dma_start3A_161 = arith.constant 30720 : i32
    %dma_start3A_162 = tpu.memref_slice %arg6[%dma_start3A_161] : memref<32768xf32, #tpu.memory_space<vmem>> -> memref<2048xf32, #tpu.memory_space<vmem>>
    %dma_start3A_163 = tpu.memref_slice %arg2[%add3A_160, %mul3A_0] : memref<256x4096xf32, #tpu.memory_space<hbm>> -> memref<1x2048xf32, #tpu.memory_space<hbm>>
    %dma_start3A_164 = tpu.memref_squeeze %dma_start3A_163 : memref<1x2048xf32, #tpu.memory_space<hbm>> -> memref<2048xf32, #tpu.memory_space<hbm>>
    %dma_start3A_165 = arith.constant 30720 : i32
    %dma_start3A_166 = tpu.memref_slice %arg6[%dma_start3A_165] : memref<32768xf32, #tpu.memory_space<vmem>> -> memref<2048xf32, #tpu.memory_space<vmem>>
    %dma_start3A_167 = tpu.memref_slice %arg2[%add3A_160, %mul3A_0] : memref<256x4096xf32, #tpu.memory_space<hbm>> -> memref<1x2048xf32, #tpu.memory_space<hbm>>
    %dma_start3A_168 = tpu.memref_squeeze %dma_start3A_167 : memref<1x2048xf32, #tpu.memory_space<hbm>> -> memref<2048xf32, #tpu.memory_space<hbm>>
    tpu.enqueue_dma source(%dma_start3A_168 : memref<2048xf32, #tpu.memory_space<hbm>>) target(%dma_start3A_166 : memref<2048xf32, #tpu.memory_space<vmem>>) target_semaphore(%arg9 : memref<!tpu.dma_semaphore, #tpu.memory_space<semaphore_mem>>)
    %broadcast_in_dim3A = arith.constant 0.000000e+00 : f32
    %broadcast_in_dim3A_169 = vector.broadcast %broadcast_in_dim3A : f32 to vector<16xf32>
    %parallel_loop3A = arith.constant 0 : i32
    %parallel_loop3A_170 = arith.constant 1024 : i32
    %parallel_loop3A_171 = arith.constant 1 : i32
    scf.for %parallel_loop3A_311 = %parallel_loop3A to %parallel_loop3A_170 step %parallel_loop3A_171  : i32 {
      %parallel_loop3A_312 = arith.constant 16 : i32
      %parallel_loop3A_313 = arith.muli %parallel_loop3A_311, %parallel_loop3A_312 : i32
      %parallel_loop3A_314 = arith.index_cast %parallel_loop3A_313 : i32 to index
      %parallel_loop3A_315 = tpu.vector_load %arg7[%parallel_loop3A_314] {strides = array<i32>} : memref<16384xf32, #tpu.memory_space<vmem>>, vector<16xf32>,
      tpu.vector_store %arg7[%parallel_loop3A_314], %broadcast_in_dim3A_169 {strides = array<i32>} : memref<16384xf32, #tpu.memory_space<vmem>>, vector<16xf32>,
    } {sc.loop_unroll_factor = 8 : i64, sc.parallel_access}
    %dma_wait3A = tpu.memref_slice %arg3[%mul3A_0] : memref<4096xi32, #tpu.memory_space<hbm>> -> memref<2048xi32, #tpu.memory_space<hbm>>
    %dma_wait3A_172 = tpu.memref_slice %arg3[%mul3A_0] : memref<4096xi32, #tpu.memory_space<hbm>> -> memref<2048xi32, #tpu.memory_space<hbm>>
    tpu.wait_dma2 semaphore(%arg8 : memref<!tpu.dma_semaphore, #tpu.memory_space<semaphore_mem>>) src(%dma_wait3A_172 : memref<2048xi32, #tpu.memory_space<hbm>>) dst(%arg5 : memref<2048xi32, #tpu.memory_space<vmem>>)
    %dma_wait3A_173 = arith.constant 0 : i32
    %dma_wait3A_174 = tpu.memref_slice %arg6[%dma_wait3A_173] : memref<32768xf32, #tpu.memory_space<vmem>> -> memref<2048xf32, #tpu.memory_space<vmem>>
    %dma_wait3A_175 = tpu.memref_slice %arg2[%add3A_10, %mul3A_0] : memref<256x4096xf32, #tpu.memory_space<hbm>> -> memref<1x2048xf32, #tpu.memory_space<hbm>>
    %dma_wait3A_176 = tpu.memref_squeeze %dma_wait3A_175 : memref<1x2048xf32, #tpu.memory_space<hbm>> -> memref<2048xf32, #tpu.memory_space<hbm>>
    %dma_wait3A_177 = arith.constant 0 : i32
    %dma_wait3A_178 = tpu.memref_slice %arg6[%dma_wait3A_177] : memref<32768xf32, #tpu.memory_space<vmem>> -> memref<2048xf32, #tpu.memory_space<vmem>>
    %dma_wait3A_179 = tpu.memref_slice %arg2[%add3A_10, %mul3A_0] : memref<256x4096xf32, #tpu.memory_space<hbm>> -> memref<1x2048xf32, #tpu.memory_space<hbm>>
    %dma_wait3A_180 = tpu.memref_squeeze %dma_wait3A_179 : memref<1x2048xf32, #tpu.memory_space<hbm>> -> memref<2048xf32, #tpu.memory_space<hbm>>
    tpu.wait_dma2 semaphore(%arg9 : memref<!tpu.dma_semaphore, #tpu.memory_space<semaphore_mem>>) src(%dma_wait3A_180 : memref<2048xf32, #tpu.memory_space<hbm>>) dst(%dma_wait3A_178 : memref<2048xf32, #tpu.memory_space<vmem>>)
    %dma_wait3A_181 = arith.constant 2048 : i32
    %dma_wait3A_182 = tpu.memref_slice %arg6[%dma_wait3A_181] : memref<32768xf32, #tpu.memory_space<vmem>> -> memref<2048xf32, #tpu.memory_space<vmem>>
    %dma_wait3A_183 = tpu.memref_slice %arg2[%add3A_20, %mul3A_0] : memref<256x4096xf32, #tpu.memory_space<hbm>> -> memref<1x2048xf32, #tpu.memory_space<hbm>>
    %dma_wait3A_184 = tpu.memref_squeeze %dma_wait3A_183 : memref<1x2048xf32, #tpu.memory_space<hbm>> -> memref<2048xf32, #tpu.memory_space<hbm>>
    %dma_wait3A_185 = arith.constant 2048 : i32
    %dma_wait3A_186 = tpu.memref_slice %arg6[%dma_wait3A_185] : memref<32768xf32, #tpu.memory_space<vmem>> -> memref<2048xf32, #tpu.memory_space<vmem>>
    %dma_wait3A_187 = tpu.memref_slice %arg2[%add3A_20, %mul3A_0] : memref<256x4096xf32, #tpu.memory_space<hbm>> -> memref<1x2048xf32, #tpu.memory_space<hbm>>
    %dma_wait3A_188 = tpu.memref_squeeze %dma_wait3A_187 : memref<1x2048xf32, #tpu.memory_space<hbm>> -> memref<2048xf32, #tpu.memory_space<hbm>>
    tpu.wait_dma2 semaphore(%arg9 : memref<!tpu.dma_semaphore, #tpu.memory_space<semaphore_mem>>) src(%dma_wait3A_188 : memref<2048xf32, #tpu.memory_space<hbm>>) dst(%dma_wait3A_186 : memref<2048xf32, #tpu.memory_space<vmem>>)
    %dma_wait3A_189 = arith.constant 4096 : i32
    %dma_wait3A_190 = tpu.memref_slice %arg6[%dma_wait3A_189] : memref<32768xf32, #tpu.memory_space<vmem>> -> memref<2048xf32, #tpu.memory_space<vmem>>
    %dma_wait3A_191 = tpu.memref_slice %arg2[%add3A_30, %mul3A_0] : memref<256x4096xf32, #tpu.memory_space<hbm>> -> memref<1x2048xf32, #tpu.memory_space<hbm>>
    %dma_wait3A_192 = tpu.memref_squeeze %dma_wait3A_191 : memref<1x2048xf32, #tpu.memory_space<hbm>> -> memref<2048xf32, #tpu.memory_space<hbm>>
    %dma_wait3A_193 = arith.constant 4096 : i32
    %dma_wait3A_194 = tpu.memref_slice %arg6[%dma_wait3A_193] : memref<32768xf32, #tpu.memory_space<vmem>> -> memref<2048xf32, #tpu.memory_space<vmem>>
    %dma_wait3A_195 = tpu.memref_slice %arg2[%add3A_30, %mul3A_0] : memref<256x4096xf32, #tpu.memory_space<hbm>> -> memref<1x2048xf32, #tpu.memory_space<hbm>>
    %dma_wait3A_196 = tpu.memref_squeeze %dma_wait3A_195 : memref<1x2048xf32, #tpu.memory_space<hbm>> -> memref<2048xf32, #tpu.memory_space<hbm>>
    tpu.wait_dma2 semaphore(%arg9 : memref<!tpu.dma_semaphore, #tpu.memory_space<semaphore_mem>>) src(%dma_wait3A_196 : memref<2048xf32, #tpu.memory_space<hbm>>) dst(%dma_wait3A_194 : memref<2048xf32, #tpu.memory_space<vmem>>)
    %dma_wait3A_197 = arith.constant 6144 : i32
    %dma_wait3A_198 = tpu.memref_slice %arg6[%dma_wait3A_197] : memref<32768xf32, #tpu.memory_space<vmem>> -> memref<2048xf32, #tpu.memory_space<vmem>>
    %dma_wait3A_199 = tpu.memref_slice %arg2[%add3A_40, %mul3A_0] : memref<256x4096xf32, #tpu.memory_space<hbm>> -> memref<1x2048xf32, #tpu.memory_space<hbm>>
    %dma_wait3A_200 = tpu.memref_squeeze %dma_wait3A_199 : memref<1x2048xf32, #tpu.memory_space<hbm>> -> memref<2048xf32, #tpu.memory_space<hbm>>
    %dma_wait3A_201 = arith.constant 6144 : i32
    %dma_wait3A_202 = tpu.memref_slice %arg6[%dma_wait3A_201] : memref<32768xf32, #tpu.memory_space<vmem>> -> memref<2048xf32, #tpu.memory_space<vmem>>
    %dma_wait3A_203 = tpu.memref_slice %arg2[%add3A_40, %mul3A_0] : memref<256x4096xf32, #tpu.memory_space<hbm>> -> memref<1x2048xf32, #tpu.memory_space<hbm>>
    %dma_wait3A_204 = tpu.memref_squeeze %dma_wait3A_203 : memref<1x2048xf32, #tpu.memory_space<hbm>> -> memref<2048xf32, #tpu.memory_space<hbm>>
    tpu.wait_dma2 semaphore(%arg9 : memref<!tpu.dma_semaphore, #tpu.memory_space<semaphore_mem>>) src(%dma_wait3A_204 : memref<2048xf32, #tpu.memory_space<hbm>>) dst(%dma_wait3A_202 : memref<2048xf32, #tpu.memory_space<vmem>>)
    %dma_wait3A_205 = arith.constant 8192 : i32
    %dma_wait3A_206 = tpu.memref_slice %arg6[%dma_wait3A_205] : memref<32768xf32, #tpu.memory_space<vmem>> -> memref<2048xf32, #tpu.memory_space<vmem>>
    %dma_wait3A_207 = tpu.memref_slice %arg2[%add3A_50, %mul3A_0] : memref<256x4096xf32, #tpu.memory_space<hbm>> -> memref<1x2048xf32, #tpu.memory_space<hbm>>
    %dma_wait3A_208 = tpu.memref_squeeze %dma_wait3A_207 : memref<1x2048xf32, #tpu.memory_space<hbm>> -> memref<2048xf32, #tpu.memory_space<hbm>>
    %dma_wait3A_209 = arith.constant 8192 : i32
    %dma_wait3A_210 = tpu.memref_slice %arg6[%dma_wait3A_209] : memref<32768xf32, #tpu.memory_space<vmem>> -> memref<2048xf32, #tpu.memory_space<vmem>>
    %dma_wait3A_211 = tpu.memref_slice %arg2[%add3A_50, %mul3A_0] : memref<256x4096xf32, #tpu.memory_space<hbm>> -> memref<1x2048xf32, #tpu.memory_space<hbm>>
    %dma_wait3A_212 = tpu.memref_squeeze %dma_wait3A_211 : memref<1x2048xf32, #tpu.memory_space<hbm>> -> memref<2048xf32, #tpu.memory_space<hbm>>
    tpu.wait_dma2 semaphore(%arg9 : memref<!tpu.dma_semaphore, #tpu.memory_space<semaphore_mem>>) src(%dma_wait3A_212 : memref<2048xf32, #tpu.memory_space<hbm>>) dst(%dma_wait3A_210 : memref<2048xf32, #tpu.memory_space<vmem>>)
    %dma_wait3A_213 = arith.constant 10240 : i32
    %dma_wait3A_214 = tpu.memref_slice %arg6[%dma_wait3A_213] : memref<32768xf32, #tpu.memory_space<vmem>> -> memref<2048xf32, #tpu.memory_space<vmem>>
    %dma_wait3A_215 = tpu.memref_slice %arg2[%add3A_60, %mul3A_0] : memref<256x4096xf32, #tpu.memory_space<hbm>> -> memref<1x2048xf32, #tpu.memory_space<hbm>>
    %dma_wait3A_216 = tpu.memref_squeeze %dma_wait3A_215 : memref<1x2048xf32, #tpu.memory_space<hbm>> -> memref<2048xf32, #tpu.memory_space<hbm>>
    %dma_wait3A_217 = arith.constant 10240 : i32
    %dma_wait3A_218 = tpu.memref_slice %arg6[%dma_wait3A_217] : memref<32768xf32, #tpu.memory_space<vmem>> -> memref<2048xf32, #tpu.memory_space<vmem>>
    %dma_wait3A_219 = tpu.memref_slice %arg2[%add3A_60, %mul3A_0] : memref<256x4096xf32, #tpu.memory_space<hbm>> -> memref<1x2048xf32, #tpu.memory_space<hbm>>
    %dma_wait3A_220 = tpu.memref_squeeze %dma_wait3A_219 : memref<1x2048xf32, #tpu.memory_space<hbm>> -> memref<2048xf32, #tpu.memory_space<hbm>>
    tpu.wait_dma2 semaphore(%arg9 : memref<!tpu.dma_semaphore, #tpu.memory_space<semaphore_mem>>) src(%dma_wait3A_220 : memref<2048xf32, #tpu.memory_space<hbm>>) dst(%dma_wait3A_218 : memref<2048xf32, #tpu.memory_space<vmem>>)
    %dma_wait3A_221 = arith.constant 12288 : i32
    %dma_wait3A_222 = tpu.memref_slice %arg6[%dma_wait3A_221] : memref<32768xf32, #tpu.memory_space<vmem>> -> memref<2048xf32, #tpu.memory_space<vmem>>
    %dma_wait3A_223 = tpu.memref_slice %arg2[%add3A_70, %mul3A_0] : memref<256x4096xf32, #tpu.memory_space<hbm>> -> memref<1x2048xf32, #tpu.memory_space<hbm>>
    %dma_wait3A_224 = tpu.memref_squeeze %dma_wait3A_223 : memref<1x2048xf32, #tpu.memory_space<hbm>> -> memref<2048xf32, #tpu.memory_space<hbm>>
    %dma_wait3A_225 = arith.constant 12288 : i32
    %dma_wait3A_226 = tpu.memref_slice %arg6[%dma_wait3A_225] : memref<32768xf32, #tpu.memory_space<vmem>> -> memref<2048xf32, #tpu.memory_space<vmem>>
    %dma_wait3A_227 = tpu.memref_slice %arg2[%add3A_70, %mul3A_0] : memref<256x4096xf32, #tpu.memory_space<hbm>> -> memref<1x2048xf32, #tpu.memory_space<hbm>>
    %dma_wait3A_228 = tpu.memref_squeeze %dma_wait3A_227 : memref<1x2048xf32, #tpu.memory_space<hbm>> -> memref<2048xf32, #tpu.memory_space<hbm>>
    tpu.wait_dma2 semaphore(%arg9 : memref<!tpu.dma_semaphore, #tpu.memory_space<semaphore_mem>>) src(%dma_wait3A_228 : memref<2048xf32, #tpu.memory_space<hbm>>) dst(%dma_wait3A_226 : memref<2048xf32, #tpu.memory_space<vmem>>)
    %dma_wait3A_229 = arith.constant 14336 : i32
    %dma_wait3A_230 = tpu.memref_slice %arg6[%dma_wait3A_229] : memref<32768xf32, #tpu.memory_space<vmem>> -> memref<2048xf32, #tpu.memory_space<vmem>>
    %dma_wait3A_231 = tpu.memref_slice %arg2[%add3A_80, %mul3A_0] : memref<256x4096xf32, #tpu.memory_space<hbm>> -> memref<1x2048xf32, #tpu.memory_space<hbm>>
    %dma_wait3A_232 = tpu.memref_squeeze %dma_wait3A_231 : memref<1x2048xf32, #tpu.memory_space<hbm>> -> memref<2048xf32, #tpu.memory_space<hbm>>
    %dma_wait3A_233 = arith.constant 14336 : i32
    %dma_wait3A_234 = tpu.memref_slice %arg6[%dma_wait3A_233] : memref<32768xf32, #tpu.memory_space<vmem>> -> memref<2048xf32, #tpu.memory_space<vmem>>
    %dma_wait3A_235 = tpu.memref_slice %arg2[%add3A_80, %mul3A_0] : memref<256x4096xf32, #tpu.memory_space<hbm>> -> memref<1x2048xf32, #tpu.memory_space<hbm>>
    %dma_wait3A_236 = tpu.memref_squeeze %dma_wait3A_235 : memref<1x2048xf32, #tpu.memory_space<hbm>> -> memref<2048xf32, #tpu.memory_space<hbm>>
    tpu.wait_dma2 semaphore(%arg9 : memref<!tpu.dma_semaphore, #tpu.memory_space<semaphore_mem>>) src(%dma_wait3A_236 : memref<2048xf32, #tpu.memory_space<hbm>>) dst(%dma_wait3A_234 : memref<2048xf32, #tpu.memory_space<vmem>>)
    %dma_wait3A_237 = arith.constant 16384 : i32
    %dma_wait3A_238 = tpu.memref_slice %arg6[%dma_wait3A_237] : memref<32768xf32, #tpu.memory_space<vmem>> -> memref<2048xf32, #tpu.memory_space<vmem>>
    %dma_wait3A_239 = tpu.memref_slice %arg2[%add3A_90, %mul3A_0] : memref<256x4096xf32, #tpu.memory_space<hbm>> -> memref<1x2048xf32, #tpu.memory_space<hbm>>
    %dma_wait3A_240 = tpu.memref_squeeze %dma_wait3A_239 : memref<1x2048xf32, #tpu.memory_space<hbm>> -> memref<2048xf32, #tpu.memory_space<hbm>>
    %dma_wait3A_241 = arith.constant 16384 : i32
    %dma_wait3A_242 = tpu.memref_slice %arg6[%dma_wait3A_241] : memref<32768xf32, #tpu.memory_space<vmem>> -> memref<2048xf32, #tpu.memory_space<vmem>>
    %dma_wait3A_243 = tpu.memref_slice %arg2[%add3A_90, %mul3A_0] : memref<256x4096xf32, #tpu.memory_space<hbm>> -> memref<1x2048xf32, #tpu.memory_space<hbm>>
    %dma_wait3A_244 = tpu.memref_squeeze %dma_wait3A_243 : memref<1x2048xf32, #tpu.memory_space<hbm>> -> memref<2048xf32, #tpu.memory_space<hbm>>
    tpu.wait_dma2 semaphore(%arg9 : memref<!tpu.dma_semaphore, #tpu.memory_space<semaphore_mem>>) src(%dma_wait3A_244 : memref<2048xf32, #tpu.memory_space<hbm>>) dst(%dma_wait3A_242 : memref<2048xf32, #tpu.memory_space<vmem>>)
    %dma_wait3A_245 = arith.constant 18432 : i32
    %dma_wait3A_246 = tpu.memref_slice %arg6[%dma_wait3A_245] : memref<32768xf32, #tpu.memory_space<vmem>> -> memref<2048xf32, #tpu.memory_space<vmem>>
    %dma_wait3A_247 = tpu.memref_slice %arg2[%add3A_100, %mul3A_0] : memref<256x4096xf32, #tpu.memory_space<hbm>> -> memref<1x2048xf32, #tpu.memory_space<hbm>>
    %dma_wait3A_248 = tpu.memref_squeeze %dma_wait3A_247 : memref<1x2048xf32, #tpu.memory_space<hbm>> -> memref<2048xf32, #tpu.memory_space<hbm>>
    %dma_wait3A_249 = arith.constant 18432 : i32
    %dma_wait3A_250 = tpu.memref_slice %arg6[%dma_wait3A_249] : memref<32768xf32, #tpu.memory_space<vmem>> -> memref<2048xf32, #tpu.memory_space<vmem>>
    %dma_wait3A_251 = tpu.memref_slice %arg2[%add3A_100, %mul3A_0] : memref<256x4096xf32, #tpu.memory_space<hbm>> -> memref<1x2048xf32, #tpu.memory_space<hbm>>
    %dma_wait3A_252 = tpu.memref_squeeze %dma_wait3A_251 : memref<1x2048xf32, #tpu.memory_space<hbm>> -> memref<2048xf32, #tpu.memory_space<hbm>>
    tpu.wait_dma2 semaphore(%arg9 : memref<!tpu.dma_semaphore, #tpu.memory_space<semaphore_mem>>) src(%dma_wait3A_252 : memref<2048xf32, #tpu.memory_space<hbm>>) dst(%dma_wait3A_250 : memref<2048xf32, #tpu.memory_space<vmem>>)
    %dma_wait3A_253 = arith.constant 20480 : i32
    %dma_wait3A_254 = tpu.memref_slice %arg6[%dma_wait3A_253] : memref<32768xf32, #tpu.memory_space<vmem>> -> memref<2048xf32, #tpu.memory_space<vmem>>
    %dma_wait3A_255 = tpu.memref_slice %arg2[%add3A_110, %mul3A_0] : memref<256x4096xf32, #tpu.memory_space<hbm>> -> memref<1x2048xf32, #tpu.memory_space<hbm>>
    %dma_wait3A_256 = tpu.memref_squeeze %dma_wait3A_255 : memref<1x2048xf32, #tpu.memory_space<hbm>> -> memref<2048xf32, #tpu.memory_space<hbm>>
    %dma_wait3A_257 = arith.constant 20480 : i32
    %dma_wait3A_258 = tpu.memref_slice %arg6[%dma_wait3A_257] : memref<32768xf32, #tpu.memory_space<vmem>> -> memref<2048xf32, #tpu.memory_space<vmem>>
    %dma_wait3A_259 = tpu.memref_slice %arg2[%add3A_110, %mul3A_0] : memref<256x4096xf32, #tpu.memory_space<hbm>> -> memref<1x2048xf32, #tpu.memory_space<hbm>>
    %dma_wait3A_260 = tpu.memref_squeeze %dma_wait3A_259 : memref<1x2048xf32, #tpu.memory_space<hbm>> -> memref<2048xf32, #tpu.memory_space<hbm>>
    tpu.wait_dma2 semaphore(%arg9 : memref<!tpu.dma_semaphore, #tpu.memory_space<semaphore_mem>>) src(%dma_wait3A_260 : memref<2048xf32, #tpu.memory_space<hbm>>) dst(%dma_wait3A_258 : memref<2048xf32, #tpu.memory_space<vmem>>)
    %dma_wait3A_261 = arith.constant 22528 : i32
    %dma_wait3A_262 = tpu.memref_slice %arg6[%dma_wait3A_261] : memref<32768xf32, #tpu.memory_space<vmem>> -> memref<2048xf32, #tpu.memory_space<vmem>>
    %dma_wait3A_263 = tpu.memref_slice %arg2[%add3A_120, %mul3A_0] : memref<256x4096xf32, #tpu.memory_space<hbm>> -> memref<1x2048xf32, #tpu.memory_space<hbm>>
    %dma_wait3A_264 = tpu.memref_squeeze %dma_wait3A_263 : memref<1x2048xf32, #tpu.memory_space<hbm>> -> memref<2048xf32, #tpu.memory_space<hbm>>
    %dma_wait3A_265 = arith.constant 22528 : i32
    %dma_wait3A_266 = tpu.memref_slice %arg6[%dma_wait3A_265] : memref<32768xf32, #tpu.memory_space<vmem>> -> memref<2048xf32, #tpu.memory_space<vmem>>
    %dma_wait3A_267 = tpu.memref_slice %arg2[%add3A_120, %mul3A_0] : memref<256x4096xf32, #tpu.memory_space<hbm>> -> memref<1x2048xf32, #tpu.memory_space<hbm>>
    %dma_wait3A_268 = tpu.memref_squeeze %dma_wait3A_267 : memref<1x2048xf32, #tpu.memory_space<hbm>> -> memref<2048xf32, #tpu.memory_space<hbm>>
    tpu.wait_dma2 semaphore(%arg9 : memref<!tpu.dma_semaphore, #tpu.memory_space<semaphore_mem>>) src(%dma_wait3A_268 : memref<2048xf32, #tpu.memory_space<hbm>>) dst(%dma_wait3A_266 : memref<2048xf32, #tpu.memory_space<vmem>>)
    %dma_wait3A_269 = arith.constant 24576 : i32
    %dma_wait3A_270 = tpu.memref_slice %arg6[%dma_wait3A_269] : memref<32768xf32, #tpu.memory_space<vmem>> -> memref<2048xf32, #tpu.memory_space<vmem>>
    %dma_wait3A_271 = tpu.memref_slice %arg2[%add3A_130, %mul3A_0] : memref<256x4096xf32, #tpu.memory_space<hbm>> -> memref<1x2048xf32, #tpu.memory_space<hbm>>
    %dma_wait3A_272 = tpu.memref_squeeze %dma_wait3A_271 : memref<1x2048xf32, #tpu.memory_space<hbm>> -> memref<2048xf32, #tpu.memory_space<hbm>>
    %dma_wait3A_273 = arith.constant 24576 : i32
    %dma_wait3A_274 = tpu.memref_slice %arg6[%dma_wait3A_273] : memref<32768xf32, #tpu.memory_space<vmem>> -> memref<2048xf32, #tpu.memory_space<vmem>>
    %dma_wait3A_275 = tpu.memref_slice %arg2[%add3A_130, %mul3A_0] : memref<256x4096xf32, #tpu.memory_space<hbm>> -> memref<1x2048xf32, #tpu.memory_space<hbm>>
    %dma_wait3A_276 = tpu.memref_squeeze %dma_wait3A_275 : memref<1x2048xf32, #tpu.memory_space<hbm>> -> memref<2048xf32, #tpu.memory_space<hbm>>
    tpu.wait_dma2 semaphore(%arg9 : memref<!tpu.dma_semaphore, #tpu.memory_space<semaphore_mem>>) src(%dma_wait3A_276 : memref<2048xf32, #tpu.memory_space<hbm>>) dst(%dma_wait3A_274 : memref<2048xf32, #tpu.memory_space<vmem>>)
    %dma_wait3A_277 = arith.constant 26624 : i32
    %dma_wait3A_278 = tpu.memref_slice %arg6[%dma_wait3A_277] : memref<32768xf32, #tpu.memory_space<vmem>> -> memref<2048xf32, #tpu.memory_space<vmem>>
    %dma_wait3A_279 = tpu.memref_slice %arg2[%add3A_140, %mul3A_0] : memref<256x4096xf32, #tpu.memory_space<hbm>> -> memref<1x2048xf32, #tpu.memory_space<hbm>>
    %dma_wait3A_280 = tpu.memref_squeeze %dma_wait3A_279 : memref<1x2048xf32, #tpu.memory_space<hbm>> -> memref<2048xf32, #tpu.memory_space<hbm>>
    %dma_wait3A_281 = arith.constant 26624 : i32
    %dma_wait3A_282 = tpu.memref_slice %arg6[%dma_wait3A_281] : memref<32768xf32, #tpu.memory_space<vmem>> -> memref<2048xf32, #tpu.memory_space<vmem>>
    %dma_wait3A_283 = tpu.memref_slice %arg2[%add3A_140, %mul3A_0] : memref<256x4096xf32, #tpu.memory_space<hbm>> -> memref<1x2048xf32, #tpu.memory_space<hbm>>
    %dma_wait3A_284 = tpu.memref_squeeze %dma_wait3A_283 : memref<1x2048xf32, #tpu.memory_space<hbm>> -> memref<2048xf32, #tpu.memory_space<hbm>>
    tpu.wait_dma2 semaphore(%arg9 : memref<!tpu.dma_semaphore, #tpu.memory_space<semaphore_mem>>) src(%dma_wait3A_284 : memref<2048xf32, #tpu.memory_space<hbm>>) dst(%dma_wait3A_282 : memref<2048xf32, #tpu.memory_space<vmem>>)
    %dma_wait3A_285 = arith.constant 28672 : i32
    %dma_wait3A_286 = tpu.memref_slice %arg6[%dma_wait3A_285] : memref<32768xf32, #tpu.memory_space<vmem>> -> memref<2048xf32, #tpu.memory_space<vmem>>
    %dma_wait3A_287 = tpu.memref_slice %arg2[%add3A_150, %mul3A_0] : memref<256x4096xf32, #tpu.memory_space<hbm>> -> memref<1x2048xf32, #tpu.memory_space<hbm>>
    %dma_wait3A_288 = tpu.memref_squeeze %dma_wait3A_287 : memref<1x2048xf32, #tpu.memory_space<hbm>> -> memref<2048xf32, #tpu.memory_space<hbm>>
    %dma_wait3A_289 = arith.constant 28672 : i32
    %dma_wait3A_290 = tpu.memref_slice %arg6[%dma_wait3A_289] : memref<32768xf32, #tpu.memory_space<vmem>> -> memref<2048xf32, #tpu.memory_space<vmem>>
    %dma_wait3A_291 = tpu.memref_slice %arg2[%add3A_150, %mul3A_0] : memref<256x4096xf32, #tpu.memory_space<hbm>> -> memref<1x2048xf32, #tpu.memory_space<hbm>>
    %dma_wait3A_292 = tpu.memref_squeeze %dma_wait3A_291 : memref<1x2048xf32, #tpu.memory_space<hbm>> -> memref<2048xf32, #tpu.memory_space<hbm>>
    tpu.wait_dma2 semaphore(%arg9 : memref<!tpu.dma_semaphore, #tpu.memory_space<semaphore_mem>>) src(%dma_wait3A_292 : memref<2048xf32, #tpu.memory_space<hbm>>) dst(%dma_wait3A_290 : memref<2048xf32, #tpu.memory_space<vmem>>)
    %dma_wait3A_293 = arith.constant 30720 : i32
    %dma_wait3A_294 = tpu.memref_slice %arg6[%dma_wait3A_293] : memref<32768xf32, #tpu.memory_space<vmem>> -> memref<2048xf32, #tpu.memory_space<vmem>>
    %dma_wait3A_295 = tpu.memref_slice %arg2[%add3A_160, %mul3A_0] : memref<256x4096xf32, #tpu.memory_space<hbm>> -> memref<1x2048xf32, #tpu.memory_space<hbm>>
    %dma_wait3A_296 = tpu.memref_squeeze %dma_wait3A_295 : memref<1x2048xf32, #tpu.memory_space<hbm>> -> memref<2048xf32, #tpu.memory_space<hbm>>
    %dma_wait3A_297 = arith.constant 30720 : i32
    %dma_wait3A_298 = tpu.memref_slice %arg6[%dma_wait3A_297] : memref<32768xf32, #tpu.memory_space<vmem>> -> memref<2048xf32, #tpu.memory_space<vmem>>
    %dma_wait3A_299 = tpu.memref_slice %arg2[%add3A_160, %mul3A_0] : memref<256x4096xf32, #tpu.memory_space<hbm>> -> memref<1x2048xf32, #tpu.memory_space<hbm>>
    %dma_wait3A_300 = tpu.memref_squeeze %dma_wait3A_299 : memref<1x2048xf32, #tpu.memory_space<hbm>> -> memref<2048xf32, #tpu.memory_space<hbm>>
    tpu.wait_dma2 semaphore(%arg9 : memref<!tpu.dma_semaphore, #tpu.memory_space<semaphore_mem>>) src(%dma_wait3A_300 : memref<2048xf32, #tpu.memory_space<hbm>>) dst(%dma_wait3A_298 : memref<2048xf32, #tpu.memory_space<vmem>>)
    %parallel_loop3A_301 = arith.constant 0 : i32
    %parallel_loop3A_302 = arith.constant 128 : i32
    %parallel_loop3A_303 = arith.constant 1 : i32
    scf.for %parallel_loop3A_311 = %parallel_loop3A_301 to %parallel_loop3A_302 step %parallel_loop3A_303  : i32 {
      %parallel_loop3A_312 = arith.constant 16 : i32
      %parallel_loop3A_313 = arith.muli %parallel_loop3A_311, %parallel_loop3A_312 : i32
      %parallel_loop3A_314 = arith.index_cast %parallel_loop3A_313 : i32 to index
      %parallel_loop3A_315 = tpu.vector_load %arg5[%parallel_loop3A_314] {strides = array<i32>} : memref<2048xi32, #tpu.memory_space<vmem>>, vector<16xi32>,
      %parallel_loop3A_316 = arith.constant 16 : i32
      %parallel_loop3A_317 = arith.muli %parallel_loop3A_311, %parallel_loop3A_316 : i32
      %parallel_loop3A_318 = arith.constant 0 : i32
      %parallel_loop3A_319 = arith.addi %parallel_loop3A_317, %parallel_loop3A_318 : i32
      %parallel_loop3A_320 = vector.extract_strided_slice %parallel_loop3A_315 {offsets = [0], sizes = [1], strides = [1]} : vector<16xi32> to vector<1xi32>
      %parallel_loop3A_321 = vector.extract %parallel_loop3A_320[0] : i32 from vector<1xi32>
      %parallel_loop3A_322 = vector.broadcast %parallel_loop3A_319 : i32 to vector<16xi32>
      %parallel_loop3A_323 = arith.addi %mul3A_5, %parallel_loop3A_322 : vector<16xi32>
      %parallel_loop3A_324 = tpu.vector_load_idx %arg6[%parallel_loop3A_323] : memref<32768xf32, #tpu.memory_space<vmem>>[vector<16xi32>], vector<16xf32>,
      %parallel_loop3A_325 = vector.broadcast %parallel_loop3A_321 : i32 to vector<16xi32>
      %parallel_loop3A_326 = arith.addi %mul3A_8, %parallel_loop3A_325 : vector<16xi32>
      tpu.vector_store_idx %arg7[%parallel_loop3A_326], %parallel_loop3A_324 {add = true} : memref<16384xf32, #tpu.memory_space<vmem>>[vector<16xi32>], vector<16xf32>,
      %parallel_loop3A_327 = arith.constant 16 : i32
      %parallel_loop3A_328 = arith.muli %parallel_loop3A_311, %parallel_loop3A_327 : i32
      %parallel_loop3A_329 = arith.constant 1 : i32
      %parallel_loop3A_330 = arith.addi %parallel_loop3A_328, %parallel_loop3A_329 : i32
      %parallel_loop3A_331 = vector.extract_strided_slice %parallel_loop3A_315 {offsets = [1], sizes = [1], strides = [1]} : vector<16xi32> to vector<1xi32>
      %parallel_loop3A_332 = vector.extract %parallel_loop3A_331[0] : i32 from vector<1xi32>
      %parallel_loop3A_333 = vector.broadcast %parallel_loop3A_330 : i32 to vector<16xi32>
      %parallel_loop3A_334 = arith.addi %mul3A_5, %parallel_loop3A_333 : vector<16xi32>
      %parallel_loop3A_335 = tpu.vector_load_idx %arg6[%parallel_loop3A_334] : memref<32768xf32, #tpu.memory_space<vmem>>[vector<16xi32>], vector<16xf32>,
      %parallel_loop3A_336 = vector.broadcast %parallel_loop3A_332 : i32 to vector<16xi32>
      %parallel_loop3A_337 = arith.addi %mul3A_8, %parallel_loop3A_336 : vector<16xi32>
      tpu.vector_store_idx %arg7[%parallel_loop3A_337], %parallel_loop3A_335 {add = true} : memref<16384xf32, #tpu.memory_space<vmem>>[vector<16xi32>], vector<16xf32>,
      %parallel_loop3A_338 = arith.constant 16 : i32
      %parallel_loop3A_339 = arith.muli %parallel_loop3A_311, %parallel_loop3A_338 : i32
      %parallel_loop3A_340 = arith.constant 2 : i32
      %parallel_loop3A_341 = arith.addi %parallel_loop3A_339, %parallel_loop3A_340 : i32
      %parallel_loop3A_342 = vector.extract_strided_slice %parallel_loop3A_315 {offsets = [2], sizes = [1], strides = [1]} : vector<16xi32> to vector<1xi32>
      %parallel_loop3A_343 = vector.extract %parallel_loop3A_342[0] : i32 from vector<1xi32>
      %parallel_loop3A_344 = vector.broadcast %parallel_loop3A_341 : i32 to vector<16xi32>
      %parallel_loop3A_345 = arith.addi %mul3A_5, %parallel_loop3A_344 : vector<16xi32>
      %parallel_loop3A_346 = tpu.vector_load_idx %arg6[%parallel_loop3A_345] : memref<32768xf32, #tpu.memory_space<vmem>>[vector<16xi32>], vector<16xf32>,
      %parallel_loop3A_347 = vector.broadcast %parallel_loop3A_343 : i32 to vector<16xi32>
      %parallel_loop3A_348 = arith.addi %mul3A_8, %parallel_loop3A_347 : vector<16xi32>
      tpu.vector_store_idx %arg7[%parallel_loop3A_348], %parallel_loop3A_346 {add = true} : memref<16384xf32, #tpu.memory_space<vmem>>[vector<16xi32>], vector<16xf32>,
      %parallel_loop3A_349 = arith.constant 16 : i32
      %parallel_loop3A_350 = arith.muli %parallel_loop3A_311, %parallel_loop3A_349 : i32
      %parallel_loop3A_351 = arith.constant 3 : i32
      %parallel_loop3A_352 = arith.addi %parallel_loop3A_350, %parallel_loop3A_351 : i32
      %parallel_loop3A_353 = vector.extract_strided_slice %parallel_loop3A_315 {offsets = [3], sizes = [1], strides = [1]} : vector<16xi32> to vector<1xi32>
      %parallel_loop3A_354 = vector.extract %parallel_loop3A_353[0] : i32 from vector<1xi32>
      %parallel_loop3A_355 = vector.broadcast %parallel_loop3A_352 : i32 to vector<16xi32>
      %parallel_loop3A_356 = arith.addi %mul3A_5, %parallel_loop3A_355 : vector<16xi32>
      %parallel_loop3A_357 = tpu.vector_load_idx %arg6[%parallel_loop3A_356] : memref<32768xf32, #tpu.memory_space<vmem>>[vector<16xi32>], vector<16xf32>,
      %parallel_loop3A_358 = vector.broadcast %parallel_loop3A_354 : i32 to vector<16xi32>
      %parallel_loop3A_359 = arith.addi %mul3A_8, %parallel_loop3A_358 : vector<16xi32>
      tpu.vector_store_idx %arg7[%parallel_loop3A_359], %parallel_loop3A_357 {add = true} : memref<16384xf32, #tpu.memory_space<vmem>>[vector<16xi32>], vector<16xf32>,
      %parallel_loop3A_360 = arith.constant 16 : i32
      %parallel_loop3A_361 = arith.muli %parallel_loop3A_311, %parallel_loop3A_360 : i32
      %parallel_loop3A_362 = arith.constant 4 : i32
      %parallel_loop3A_363 = arith.addi %parallel_loop3A_361, %parallel_loop3A_362 : i32
      %parallel_loop3A_364 = vector.extract_strided_slice %parallel_loop3A_315 {offsets = [4], sizes = [1], strides = [1]} : vector<16xi32> to vector<1xi32>
      %parallel_loop3A_365 = vector.extract %parallel_loop3A_364[0] : i32 from vector<1xi32>
      %parallel_loop3A_366 = vector.broadcast %parallel_loop3A_363 : i32 to vector<16xi32>
      %parallel_loop3A_367 = arith.addi %mul3A_5, %parallel_loop3A_366 : vector<16xi32>
      %parallel_loop3A_368 = tpu.vector_load_idx %arg6[%parallel_loop3A_367] : memref<32768xf32, #tpu.memory_space<vmem>>[vector<16xi32>], vector<16xf32>,
      %parallel_loop3A_369 = vector.broadcast %parallel_loop3A_365 : i32 to vector<16xi32>
      %parallel_loop3A_370 = arith.addi %mul3A_8, %parallel_loop3A_369 : vector<16xi32>
      tpu.vector_store_idx %arg7[%parallel_loop3A_370], %parallel_loop3A_368 {add = true} : memref<16384xf32, #tpu.memory_space<vmem>>[vector<16xi32>], vector<16xf32>,
      %parallel_loop3A_371 = arith.constant 16 : i32
      %parallel_loop3A_372 = arith.muli %parallel_loop3A_311, %parallel_loop3A_371 : i32
      %parallel_loop3A_373 = arith.constant 5 : i32
      %parallel_loop3A_374 = arith.addi %parallel_loop3A_372, %parallel_loop3A_373 : i32
      %parallel_loop3A_375 = vector.extract_strided_slice %parallel_loop3A_315 {offsets = [5], sizes = [1], strides = [1]} : vector<16xi32> to vector<1xi32>
      %parallel_loop3A_376 = vector.extract %parallel_loop3A_375[0] : i32 from vector<1xi32>
      %parallel_loop3A_377 = vector.broadcast %parallel_loop3A_374 : i32 to vector<16xi32>
      %parallel_loop3A_378 = arith.addi %mul3A_5, %parallel_loop3A_377 : vector<16xi32>
      %parallel_loop3A_379 = tpu.vector_load_idx %arg6[%parallel_loop3A_378] : memref<32768xf32, #tpu.memory_space<vmem>>[vector<16xi32>], vector<16xf32>,
      %parallel_loop3A_380 = vector.broadcast %parallel_loop3A_376 : i32 to vector<16xi32>
      %parallel_loop3A_381 = arith.addi %mul3A_8, %parallel_loop3A_380 : vector<16xi32>
      tpu.vector_store_idx %arg7[%parallel_loop3A_381], %parallel_loop3A_379 {add = true} : memref<16384xf32, #tpu.memory_space<vmem>>[vector<16xi32>], vector<16xf32>,
      %parallel_loop3A_382 = arith.constant 16 : i32
      %parallel_loop3A_383 = arith.muli %parallel_loop3A_311, %parallel_loop3A_382 : i32
      %parallel_loop3A_384 = arith.constant 6 : i32
      %parallel_loop3A_385 = arith.addi %parallel_loop3A_383, %parallel_loop3A_384 : i32
      %parallel_loop3A_386 = vector.extract_strided_slice %parallel_loop3A_315 {offsets = [6], sizes = [1], strides = [1]} : vector<16xi32> to vector<1xi32>
      %parallel_loop3A_387 = vector.extract %parallel_loop3A_386[0] : i32 from vector<1xi32>
      %parallel_loop3A_388 = vector.broadcast %parallel_loop3A_385 : i32 to vector<16xi32>
      %parallel_loop3A_389 = arith.addi %mul3A_5, %parallel_loop3A_388 : vector<16xi32>
      %parallel_loop3A_390 = tpu.vector_load_idx %arg6[%parallel_loop3A_389] : memref<32768xf32, #tpu.memory_space<vmem>>[vector<16xi32>], vector<16xf32>,
      %parallel_loop3A_391 = vector.broadcast %parallel_loop3A_387 : i32 to vector<16xi32>
      %parallel_loop3A_392 = arith.addi %mul3A_8, %parallel_loop3A_391 : vector<16xi32>
      tpu.vector_store_idx %arg7[%parallel_loop3A_392], %parallel_loop3A_390 {add = true} : memref<16384xf32, #tpu.memory_space<vmem>>[vector<16xi32>], vector<16xf32>,
      %parallel_loop3A_393 = arith.constant 16 : i32
      %parallel_loop3A_394 = arith.muli %parallel_loop3A_311, %parallel_loop3A_393 : i32
      %parallel_loop3A_395 = arith.constant 7 : i32
      %parallel_loop3A_396 = arith.addi %parallel_loop3A_394, %parallel_loop3A_395 : i32
      %parallel_loop3A_397 = vector.extract_strided_slice %parallel_loop3A_315 {offsets = [7], sizes = [1], strides = [1]} : vector<16xi32> to vector<1xi32>
      %parallel_loop3A_398 = vector.extract %parallel_loop3A_397[0] : i32 from vector<1xi32>
      %parallel_loop3A_399 = vector.broadcast %parallel_loop3A_396 : i32 to vector<16xi32>
      %parallel_loop3A_400 = arith.addi %mul3A_5, %parallel_loop3A_399 : vector<16xi32>
      %parallel_loop3A_401 = tpu.vector_load_idx %arg6[%parallel_loop3A_400] : memref<32768xf32, #tpu.memory_space<vmem>>[vector<16xi32>], vector<16xf32>,
      %parallel_loop3A_402 = vector.broadcast %parallel_loop3A_398 : i32 to vector<16xi32>
      %parallel_loop3A_403 = arith.addi %mul3A_8, %parallel_loop3A_402 : vector<16xi32>
      tpu.vector_store_idx %arg7[%parallel_loop3A_403], %parallel_loop3A_401 {add = true} : memref<16384xf32, #tpu.memory_space<vmem>>[vector<16xi32>], vector<16xf32>,
      %parallel_loop3A_404 = arith.constant 16 : i32
      %parallel_loop3A_405 = arith.muli %parallel_loop3A_311, %parallel_loop3A_404 : i32
      %parallel_loop3A_406 = arith.constant 8 : i32
      %parallel_loop3A_407 = arith.addi %parallel_loop3A_405, %parallel_loop3A_406 : i32
      %parallel_loop3A_408 = vector.extract_strided_slice %parallel_loop3A_315 {offsets = [8], sizes = [1], strides = [1]} : vector<16xi32> to vector<1xi32>
      %parallel_loop3A_409 = vector.extract %parallel_loop3A_408[0] : i32 from vector<1xi32>
      %parallel_loop3A_410 = vector.broadcast %parallel_loop3A_407 : i32 to vector<16xi32>
      %parallel_loop3A_411 = arith.addi %mul3A_5, %parallel_loop3A_410 : vector<16xi32>
      %parallel_loop3A_412 = tpu.vector_load_idx %arg6[%parallel_loop3A_411] : memref<32768xf32, #tpu.memory_space<vmem>>[vector<16xi32>], vector<16xf32>,
      %parallel_loop3A_413 = vector.broadcast %parallel_loop3A_409 : i32 to vector<16xi32>
      %parallel_loop3A_414 = arith.addi %mul3A_8, %parallel_loop3A_413 : vector<16xi32>
      tpu.vector_store_idx %arg7[%parallel_loop3A_414], %parallel_loop3A_412 {add = true} : memref<16384xf32, #tpu.memory_space<vmem>>[vector<16xi32>], vector<16xf32>,
      %parallel_loop3A_415 = arith.constant 16 : i32
      %parallel_loop3A_416 = arith.muli %parallel_loop3A_311, %parallel_loop3A_415 : i32
      %parallel_loop3A_417 = arith.constant 9 : i32
      %parallel_loop3A_418 = arith.addi %parallel_loop3A_416, %parallel_loop3A_417 : i32
      %parallel_loop3A_419 = vector.extract_strided_slice %parallel_loop3A_315 {offsets = [9], sizes = [1], strides = [1]} : vector<16xi32> to vector<1xi32>
      %parallel_loop3A_420 = vector.extract %parallel_loop3A_419[0] : i32 from vector<1xi32>
      %parallel_loop3A_421 = vector.broadcast %parallel_loop3A_418 : i32 to vector<16xi32>
      %parallel_loop3A_422 = arith.addi %mul3A_5, %parallel_loop3A_421 : vector<16xi32>
      %parallel_loop3A_423 = tpu.vector_load_idx %arg6[%parallel_loop3A_422] : memref<32768xf32, #tpu.memory_space<vmem>>[vector<16xi32>], vector<16xf32>,
      %parallel_loop3A_424 = vector.broadcast %parallel_loop3A_420 : i32 to vector<16xi32>
      %parallel_loop3A_425 = arith.addi %mul3A_8, %parallel_loop3A_424 : vector<16xi32>
      tpu.vector_store_idx %arg7[%parallel_loop3A_425], %parallel_loop3A_423 {add = true} : memref<16384xf32, #tpu.memory_space<vmem>>[vector<16xi32>], vector<16xf32>,
      %parallel_loop3A_426 = arith.constant 16 : i32
      %parallel_loop3A_427 = arith.muli %parallel_loop3A_311, %parallel_loop3A_426 : i32
      %parallel_loop3A_428 = arith.constant 10 : i32
      %parallel_loop3A_429 = arith.addi %parallel_loop3A_427, %parallel_loop3A_428 : i32
      %parallel_loop3A_430 = vector.extract_strided_slice %parallel_loop3A_315 {offsets = [10], sizes = [1], strides = [1]} : vector<16xi32> to vector<1xi32>
      %parallel_loop3A_431 = vector.extract %parallel_loop3A_430[0] : i32 from vector<1xi32>
      %parallel_loop3A_432 = vector.broadcast %parallel_loop3A_429 : i32 to vector<16xi32>
      %parallel_loop3A_433 = arith.addi %mul3A_5, %parallel_loop3A_432 : vector<16xi32>
      %parallel_loop3A_434 = tpu.vector_load_idx %arg6[%parallel_loop3A_433] : memref<32768xf32, #tpu.memory_space<vmem>>[vector<16xi32>], vector<16xf32>,
      %parallel_loop3A_435 = vector.broadcast %parallel_loop3A_431 : i32 to vector<16xi32>
      %parallel_loop3A_436 = arith.addi %mul3A_8, %parallel_loop3A_435 : vector<16xi32>
      tpu.vector_store_idx %arg7[%parallel_loop3A_436], %parallel_loop3A_434 {add = true} : memref<16384xf32, #tpu.memory_space<vmem>>[vector<16xi32>], vector<16xf32>,
      %parallel_loop3A_437 = arith.constant 16 : i32
      %parallel_loop3A_438 = arith.muli %parallel_loop3A_311, %parallel_loop3A_437 : i32
      %parallel_loop3A_439 = arith.constant 11 : i32
      %parallel_loop3A_440 = arith.addi %parallel_loop3A_438, %parallel_loop3A_439 : i32
      %parallel_loop3A_441 = vector.extract_strided_slice %parallel_loop3A_315 {offsets = [11], sizes = [1], strides = [1]} : vector<16xi32> to vector<1xi32>
      %parallel_loop3A_442 = vector.extract %parallel_loop3A_441[0] : i32 from vector<1xi32>
      %parallel_loop3A_443 = vector.broadcast %parallel_loop3A_440 : i32 to vector<16xi32>
      %parallel_loop3A_444 = arith.addi %mul3A_5, %parallel_loop3A_443 : vector<16xi32>
      %parallel_loop3A_445 = tpu.vector_load_idx %arg6[%parallel_loop3A_444] : memref<32768xf32, #tpu.memory_space<vmem>>[vector<16xi32>], vector<16xf32>,
      %parallel_loop3A_446 = vector.broadcast %parallel_loop3A_442 : i32 to vector<16xi32>
      %parallel_loop3A_447 = arith.addi %mul3A_8, %parallel_loop3A_446 : vector<16xi32>
      tpu.vector_store_idx %arg7[%parallel_loop3A_447], %parallel_loop3A_445 {add = true} : memref<16384xf32, #tpu.memory_space<vmem>>[vector<16xi32>], vector<16xf32>,
      %parallel_loop3A_448 = arith.constant 16 : i32
      %parallel_loop3A_449 = arith.muli %parallel_loop3A_311, %parallel_loop3A_448 : i32
      %parallel_loop3A_450 = arith.constant 12 : i32
      %parallel_loop3A_451 = arith.addi %parallel_loop3A_449, %parallel_loop3A_450 : i32
      %parallel_loop3A_452 = vector.extract_strided_slice %parallel_loop3A_315 {offsets = [12], sizes = [1], strides = [1]} : vector<16xi32> to vector<1xi32>
      %parallel_loop3A_453 = vector.extract %parallel_loop3A_452[0] : i32 from vector<1xi32>
      %parallel_loop3A_454 = vector.broadcast %parallel_loop3A_451 : i32 to vector<16xi32>
      %parallel_loop3A_455 = arith.addi %mul3A_5, %parallel_loop3A_454 : vector<16xi32>
      %parallel_loop3A_456 = tpu.vector_load_idx %arg6[%parallel_loop3A_455] : memref<32768xf32, #tpu.memory_space<vmem>>[vector<16xi32>], vector<16xf32>,
      %parallel_loop3A_457 = vector.broadcast %parallel_loop3A_453 : i32 to vector<16xi32>
      %parallel_loop3A_458 = arith.addi %mul3A_8, %parallel_loop3A_457 : vector<16xi32>
      tpu.vector_store_idx %arg7[%parallel_loop3A_458], %parallel_loop3A_456 {add = true} : memref<16384xf32, #tpu.memory_space<vmem>>[vector<16xi32>], vector<16xf32>,
      %parallel_loop3A_459 = arith.constant 16 : i32
      %parallel_loop3A_460 = arith.muli %parallel_loop3A_311, %parallel_loop3A_459 : i32
      %parallel_loop3A_461 = arith.constant 13 : i32
      %parallel_loop3A_462 = arith.addi %parallel_loop3A_460, %parallel_loop3A_461 : i32
      %parallel_loop3A_463 = vector.extract_strided_slice %parallel_loop3A_315 {offsets = [13], sizes = [1], strides = [1]} : vector<16xi32> to vector<1xi32>
      %parallel_loop3A_464 = vector.extract %parallel_loop3A_463[0] : i32 from vector<1xi32>
      %parallel_loop3A_465 = vector.broadcast %parallel_loop3A_462 : i32 to vector<16xi32>
      %parallel_loop3A_466 = arith.addi %mul3A_5, %parallel_loop3A_465 : vector<16xi32>
      %parallel_loop3A_467 = tpu.vector_load_idx %arg6[%parallel_loop3A_466] : memref<32768xf32, #tpu.memory_space<vmem>>[vector<16xi32>], vector<16xf32>,
      %parallel_loop3A_468 = vector.broadcast %parallel_loop3A_464 : i32 to vector<16xi32>
      %parallel_loop3A_469 = arith.addi %mul3A_8, %parallel_loop3A_468 : vector<16xi32>
      tpu.vector_store_idx %arg7[%parallel_loop3A_469], %parallel_loop3A_467 {add = true} : memref<16384xf32, #tpu.memory_space<vmem>>[vector<16xi32>], vector<16xf32>,
      %parallel_loop3A_470 = arith.constant 16 : i32
      %parallel_loop3A_471 = arith.muli %parallel_loop3A_311, %parallel_loop3A_470 : i32
      %parallel_loop3A_472 = arith.constant 14 : i32
      %parallel_loop3A_473 = arith.addi %parallel_loop3A_471, %parallel_loop3A_472 : i32
      %parallel_loop3A_474 = vector.extract_strided_slice %parallel_loop3A_315 {offsets = [14], sizes = [1], strides = [1]} : vector<16xi32> to vector<1xi32>
      %parallel_loop3A_475 = vector.extract %parallel_loop3A_474[0] : i32 from vector<1xi32>
      %parallel_loop3A_476 = vector.broadcast %parallel_loop3A_473 : i32 to vector<16xi32>
      %parallel_loop3A_477 = arith.addi %mul3A_5, %parallel_loop3A_476 : vector<16xi32>
      %parallel_loop3A_478 = tpu.vector_load_idx %arg6[%parallel_loop3A_477] : memref<32768xf32, #tpu.memory_space<vmem>>[vector<16xi32>], vector<16xf32>,
      %parallel_loop3A_479 = vector.broadcast %parallel_loop3A_475 : i32 to vector<16xi32>
      %parallel_loop3A_480 = arith.addi %mul3A_8, %parallel_loop3A_479 : vector<16xi32>
      tpu.vector_store_idx %arg7[%parallel_loop3A_480], %parallel_loop3A_478 {add = true} : memref<16384xf32, #tpu.memory_space<vmem>>[vector<16xi32>], vector<16xf32>,
      %parallel_loop3A_481 = arith.constant 16 : i32
      %parallel_loop3A_482 = arith.muli %parallel_loop3A_311, %parallel_loop3A_481 : i32
      %parallel_loop3A_483 = arith.constant 15 : i32
      %parallel_loop3A_484 = arith.addi %parallel_loop3A_482, %parallel_loop3A_483 : i32
      %parallel_loop3A_485 = vector.extract_strided_slice %parallel_loop3A_315 {offsets = [15], sizes = [1], strides = [1]} : vector<16xi32> to vector<1xi32>
      %parallel_loop3A_486 = vector.extract %parallel_loop3A_485[0] : i32 from vector<1xi32>
      %parallel_loop3A_487 = vector.broadcast %parallel_loop3A_484 : i32 to vector<16xi32>
      %parallel_loop3A_488 = arith.addi %mul3A_5, %parallel_loop3A_487 : vector<16xi32>
      %parallel_loop3A_489 = tpu.vector_load_idx %arg6[%parallel_loop3A_488] : memref<32768xf32, #tpu.memory_space<vmem>>[vector<16xi32>], vector<16xf32>,
      %parallel_loop3A_490 = vector.broadcast %parallel_loop3A_486 : i32 to vector<16xi32>
      %parallel_loop3A_491 = arith.addi %mul3A_8, %parallel_loop3A_490 : vector<16xi32>
      tpu.vector_store_idx %arg7[%parallel_loop3A_491], %parallel_loop3A_489 {add = true} : memref<16384xf32, #tpu.memory_space<vmem>>[vector<16xi32>], vector<16xf32>,
    } {sc.loop_unroll_factor = 2 : i64, sc.parallel_access}
    %mul3A_304 = arith.constant 256 : i32
    %mul3A_305 = arith.muli %arg0, %mul3A_304 : i32
    %mul3A_306 = arith.constant 1024 : i32
    %mul3A_307 = arith.muli %mul3A_305, %mul3A_306 : i32
    %mul3A_308 = arith.constant 16384 : i32
    %mul3A_309 = arith.muli %arg1, %mul3A_308 : i32
    %add3A_310 = arith.addi %mul3A_307, %mul3A_309 : i32
    "tpu.region"() ({
      %run_scoped3A = tpu.sem_alloc : memref<!tpu.dma_semaphore, #tpu.memory_space<semaphore_mem>>
      %dma_start3A_311 = tpu.memref_slice %arg4[%add3A_310] : memref<524288xf32, #tpu.memory_space<hbm>> -> memref<16384xf32, #tpu.memory_space<hbm>>
      %dma_start3A_312 = tpu.memref_slice %arg4[%add3A_310] : memref<524288xf32, #tpu.memory_space<hbm>> -> memref<16384xf32, #tpu.memory_space<hbm>>
      tpu.enqueue_dma source(%arg7 : memref<16384xf32, #tpu.memory_space<vmem>>) target(%dma_start3A_312 : memref<16384xf32, #tpu.memory_space<hbm>>) target_semaphore(%run_scoped3A : memref<!tpu.dma_semaphore, #tpu.memory_space<semaphore_mem>>)
      %dma_wait3A_313 = tpu.memref_slice %arg4[%add3A_310] : memref<524288xf32, #tpu.memory_space<hbm>> -> memref<16384xf32, #tpu.memory_space<hbm>>
      %dma_wait3A_314 = tpu.memref_slice %arg4[%add3A_310] : memref<524288xf32, #tpu.memory_space<hbm>> -> memref<16384xf32, #tpu.memory_space<hbm>>
      tpu.wait_dma2 semaphore(%run_scoped3A : memref<!tpu.dma_semaphore, #tpu.memory_space<semaphore_mem>>) src(%arg7 : memref<16384xf32, #tpu.memory_space<vmem>>) dst(%dma_wait3A_314 : memref<16384xf32, #tpu.memory_space<hbm>>)
      tpu.yield
    }) : () -> ()
    return
  }
}

module attributes {stable_mosaic.version = 14 : i64} {
  func.func @_stage_a(%arg0: i32, %arg1: memref<512x1024xf32, #tpu.memory_space<vmem>>, %arg2: memref<1024x256xf32, #tpu.memory_space<vmem>>, %arg3: memref<256x1xf32, #tpu.memory_space<vmem>>, %arg4: memref<256x128xf32, #tpu.memory_space<vmem>>, %arg5: memref<128x1xf32, #tpu.memory_space<vmem>>, %arg6: memref<1x128xf32, #tpu.memory_space<vmem>>, %arg7: memref<256x512xf32, #tpu.memory_space<vmem>>, %arg8: memref<512x1xi32, #tpu.memory_space<vmem>>, %arg9: memref<1x1x1024xf32, #tpu.memory_space<vmem>>) attributes {dimension_semantics = [#tpu.dimension_semantics<arbitrary>], iteration_bounds = array<i64: 8>, scalar_prefetch = 0 : i64, scratch_operands = 0 : i64, tpu.core_type = #tpu.core_type<tc>, window_params = [{transform_indices = @transform_0, window_bounds = array<i64: 512, 1024>}, {pipeline_mode = #tpu.pipeline_mode<synchronous>, transform_indices = @transform_1, window_bounds = array<i64: 1024, 256>}, {pipeline_mode = #tpu.pipeline_mode<synchronous>, transform_indices = @transform_2, window_bounds = array<i64: 256, 1>}, {pipeline_mode = #tpu.pipeline_mode<synchronous>, transform_indices = @transform_3, window_bounds = array<i64: 256, 128>}, {pipeline_mode = #tpu.pipeline_mode<synchronous>, transform_indices = @transform_4, window_bounds = array<i64: 128, 1>}, {pipeline_mode = #tpu.pipeline_mode<synchronous>, transform_indices = @transform_5, window_bounds = array<i64: 1, 128>}, {transform_indices = @transform_6, window_bounds = array<i64: 256, 512>}, {transform_indices = @transform_7, window_bounds = array<i64: 512, 1>}, {transform_indices = @transform_8, window_bounds = array<i64: 1, 1, 1024>}]} {
    %get3A = arith.constant 0 : index
    %get3A_0 = arith.constant 0 : index
    %get3A_1 = vector.load %arg2[%get3A, %get3A_0] : memref<1024x256xf32, #tpu.memory_space<vmem>>, vector<1024x256xf32>
    %get3A_2 = arith.constant 0 : index
    %get3A_3 = arith.constant 0 : index
    %get3A_4 = vector.load %arg1[%get3A_2, %get3A_3] : memref<512x1024xf32, #tpu.memory_space<vmem>>, vector<512x1024xf32>
    %dot_general3A = arith.constant dense<0.000000e+00> : vector<256x512xf32>
    %dot_general3A_5 = tpu.matmul %get3A_1, %get3A_4, %dot_general3A {dimension_numbers = #tpu.dot_dimension_numbers<[0], [1], [1], [0], [0, 1, 1, 0], [], []>, transpose_lhs_hint = false} : vector<1024x256xf32>, vector<512x1024xf32>, vector<256x512xf32> -> vector<256x512xf32>
    %get3A_6 = arith.constant 0 : index
    %get3A_7 = arith.constant 0 : index
    %get3A_8 = vector.load %arg3[%get3A_6, %get3A_7] : memref<256x1xf32, #tpu.memory_space<vmem>>, vector<256x1xf32>
    %add3A = vector.broadcast %get3A_8 : vector<256x1xf32> to vector<256x512xf32>
    %add3A_9 = arith.addf %dot_general3A_5, %add3A : vector<256x512xf32>
    %tanh3A = math.tanh %add3A_9 : vector<256x512xf32>
    %swap3A = arith.constant 0 : index
    %swap3A_10 = arith.constant 0 : index
    %swap3A_11 = vector.load %arg7[%swap3A, %swap3A_10] : memref<256x512xf32, #tpu.memory_space<vmem>>, vector<256x512xf32>
    tpu.vector_store %arg7[%swap3A, %swap3A_10], %tanh3A {strides = array<i32>} : memref<256x512xf32, #tpu.memory_space<vmem>>, vector<256x512xf32>,
    %get3A_12 = arith.constant 0 : index
    %get3A_13 = arith.constant 0 : index
    %get3A_14 = vector.load %arg4[%get3A_12, %get3A_13] : memref<256x128xf32, #tpu.memory_space<vmem>>, vector<256x128xf32>
    %dot_general3A_15 = arith.constant dense<0.000000e+00> : vector<128x512xf32>
    %dot_general3A_16 = tpu.matmul %get3A_14, %tanh3A, %dot_general3A_15 {dimension_numbers = #tpu.dot_dimension_numbers<[0], [0], [1], [1], [0, 1, 1, 1], [], []>, transpose_lhs_hint = false} : vector<256x128xf32>, vector<256x512xf32>, vector<128x512xf32> -> vector<128x512xf32>
    %get3A_17 = arith.constant 0 : index
    %get3A_18 = arith.constant 0 : index
    %get3A_19 = vector.load %arg5[%get3A_17, %get3A_18] : memref<128x1xf32, #tpu.memory_space<vmem>>, vector<128x1xf32>
    %add3A_20 = vector.broadcast %get3A_19 : vector<128x1xf32> to vector<128x512xf32>
    %add3A_21 = arith.addf %dot_general3A_16, %add3A_20 : vector<128x512xf32>
    %div3A = arith.constant 4.000000e+00 : f32
    %div3A_22 = vector.broadcast %div3A : f32 to vector<128x512xf32>
    %div3A_23 = arith.divf %add3A_21, %div3A_22 : vector<128x512xf32>
    %floor3A = math.floor %div3A_23 : vector<128x512xf32>
    %convert_element_type3A = arith.fptosi %floor3A : vector<128x512xf32> to vector<128x512xi32>
    %convert_element_type3A_24 = arith.sitofp %convert_element_type3A : vector<128x512xi32> to vector<128x512xf32>
    %get3A_25 = arith.constant 0 : index
    %get3A_26 = arith.constant 0 : index
    %get3A_27 = vector.load %arg6[%get3A_25, %get3A_26] : memref<1x128xf32, #tpu.memory_space<vmem>>, vector<1x128xf32>
    %dot_general3A_28 = arith.constant dense<0.000000e+00> : vector<512x1xf32>
    %dot_general3A_29 = tpu.matmul %convert_element_type3A_24, %get3A_27, %dot_general3A_28 {dimension_numbers = #tpu.dot_dimension_numbers<[0], [1], [1], [0], [0, 1, 1, 0], [], []>, transpose_lhs_hint = false} : vector<128x512xf32>, vector<1x128xf32>, vector<512x1xf32> -> vector<512x1xf32>
    %convert_element_type3A_30 = arith.fptosi %dot_general3A_29 : vector<512x1xf32> to vector<512x1xi32>
    %jit3A = arith.constant 1024 : i32
    %eq3A = arith.constant 0 : i32
    %eq3A_31 = arith.cmpi eq, %jit3A, %eq3A : i32
    %jit3A_32 = arith.constant 1 : i32
    %select_n3A = arith.select %eq3A_31, %jit3A_32, %jit3A : i32
    %rem3A = vector.broadcast %select_n3A : i32 to vector<512x1xi32>
    %rem3A_33 = arith.remsi %convert_element_type3A_30, %rem3A : vector<512x1xi32>
    %ne3A = arith.constant 0 : i32
    %ne3A_34 = vector.broadcast %ne3A : i32 to vector<512x1xi32>
    %ne3A_35 = arith.cmpi ne, %rem3A_33, %ne3A_34 : vector<512x1xi32>
    %lt3A = arith.constant 0 : i32
    %lt3A_36 = vector.broadcast %lt3A : i32 to vector<512x1xi32>
    %lt3A_37 = arith.cmpi slt, %rem3A_33, %lt3A_36 : vector<512x1xi32>
    %lt3A_38 = arith.constant 0 : i32
    %lt3A_39 = arith.cmpi slt, %select_n3A, %lt3A_38 : i32
    %ne3A_40 = vector.broadcast %lt3A_39 : i1 to vector<512x1xi1>
    %ne3A_41 = vector.broadcast %ne3A_40 : vector<512x1xi1> to vector<512x1xi1>
    %ne3A_42 = arith.xori %lt3A_37, %ne3A_41 : vector<512x1xi1>
    %and3A = arith.andi %ne3A_42, %ne3A_35 : vector<512x1xi1>
    %add3A_43 = vector.broadcast %select_n3A : i32 to vector<512x1xi32>
    %add3A_44 = arith.addi %rem3A_33, %add3A_43 : vector<512x1xi32>
    %select_n3A_45 = arith.select %and3A, %add3A_44, %rem3A_33 : vector<512x1xi1>, vector<512x1xi32>
    %swap3A_46 = arith.constant 0 : index
    %swap3A_47 = arith.constant 0 : index
    %swap3A_48 = vector.load %arg8[%swap3A_46, %swap3A_47] : memref<512x1xi32, #tpu.memory_space<vmem>>, vector<512x1xi32>
    tpu.vector_store %arg8[%swap3A_46, %swap3A_47], %select_n3A_45 {strides = array<i32>} : memref<512x1xi32, #tpu.memory_space<vmem>>, vector<512x1xi32>,
    %iota3A = tpu.iota {dimensions = array<i32: 1>} : vector<1x1024xi32>
    %eq3A_49 = vector.broadcast %select_n3A_45 : vector<512x1xi32> to vector<512x1024xi32>
    %eq3A_50 = vector.broadcast %iota3A : vector<1x1024xi32> to vector<512x1024xi32>
    %eq3A_51 = arith.cmpi eq, %eq3A_49, %eq3A_50 : vector<512x1024xi32>
    %jit3A_52 = arith.constant 1.000000e+00 : f32
    %jit3A_53 = arith.constant 0.000000e+00 : f32
    %broadcast_in_dim3A = vector.broadcast %jit3A_52 : f32 to vector<512x1024xf32>
    %broadcast_in_dim3A_54 = vector.broadcast %jit3A_53 : f32 to vector<512x1024xf32>
    %select_n3A_55 = arith.select %eq3A_51, %broadcast_in_dim3A, %broadcast_in_dim3A_54 : vector<512x1024xi1>, vector<512x1024xf32>
    %reduce_sum3A = arith.constant dense<0.000000e+00> : vector<1024xf32>
    %reduce_sum3A_56 = vector.multi_reduction <add>, %select_n3A_55, %reduce_sum3A [0] : vector<512x1024xf32> to vector<1024xf32>
    %broadcast_in_dim3A_57 = vector.shape_cast %reduce_sum3A_56 : vector<1024xf32> to vector<1x1024xf32>
    %reshape3A = vector.shape_cast %broadcast_in_dim3A_57 : vector<1x1024xf32> to vector<1x1x1024xf32>
    %swap3A_58 = arith.constant 0 : index
    %swap3A_59 = arith.constant 0 : index
    %swap3A_60 = arith.constant 0 : index
    %swap3A_61 = vector.load %arg9[%swap3A_58, %swap3A_59, %swap3A_60] : memref<1x1x1024xf32, #tpu.memory_space<vmem>>, vector<1x1x1024xf32>
    tpu.vector_store %arg9[%swap3A_58, %swap3A_59, %swap3A_60], %reshape3A {strides = array<i32>} : memref<1x1x1024xf32, #tpu.memory_space<vmem>>, vector<1x1x1024xf32>,
    return
  }
  func.func @transform_0(%arg0: i32) -> (i32, i32) {
    %c0_i32 = arith.constant 0 : i32
    %c0_i32_0 = arith.constant 0 : i32
    return %arg0, %c0_i32 : i32, i32
  }
  func.func @transform_1(%arg0: i32) -> (i32, i32) {
    %c0_i32 = arith.constant 0 : i32
    %c0_i32_0 = arith.constant 0 : i32
    %c0_i32_1 = arith.constant 0 : i32
    return %c0_i32, %c0_i32_0 : i32, i32
  }
  func.func @transform_2(%arg0: i32) -> (i32, i32) {
    %c0_i32 = arith.constant 0 : i32
    %c0_i32_0 = arith.constant 0 : i32
    %c0_i32_1 = arith.constant 0 : i32
    return %c0_i32, %c0_i32_0 : i32, i32
  }
  func.func @transform_3(%arg0: i32) -> (i32, i32) {
    %c0_i32 = arith.constant 0 : i32
    %c0_i32_0 = arith.constant 0 : i32
    %c0_i32_1 = arith.constant 0 : i32
    return %c0_i32, %c0_i32_0 : i32, i32
  }
  func.func @transform_4(%arg0: i32) -> (i32, i32) {
    %c0_i32 = arith.constant 0 : i32
    %c0_i32_0 = arith.constant 0 : i32
    %c0_i32_1 = arith.constant 0 : i32
    return %c0_i32, %c0_i32_0 : i32, i32
  }
  func.func @transform_5(%arg0: i32) -> (i32, i32) {
    %c0_i32 = arith.constant 0 : i32
    %c0_i32_0 = arith.constant 0 : i32
    %c0_i32_1 = arith.constant 0 : i32
    return %c0_i32, %c0_i32_0 : i32, i32
  }
  func.func @transform_6(%arg0: i32) -> (i32, i32) {
    %c0_i32 = arith.constant 0 : i32
    %c0_i32_0 = arith.constant 0 : i32
    return %c0_i32, %arg0 : i32, i32
  }
  func.func @transform_7(%arg0: i32) -> (i32, i32) {
    %c0_i32 = arith.constant 0 : i32
    %c0_i32_0 = arith.constant 0 : i32
    return %arg0, %c0_i32 : i32, i32
  }
  func.func @transform_8(%arg0: i32) -> (i32, i32, i32) {
    %c0_i32 = arith.constant 0 : i32
    %c0_i32_0 = arith.constant 0 : i32
    %c0_i32_1 = arith.constant 0 : i32
    return %arg0, %c0_i32, %c0_i32_0 : i32, i32, i32
  }
}

module attributes {stable_mosaic.version = 14 : i64} {
  func.func @_stage_b(%arg0: i32, %arg1: memref<256x512xf32, #tpu.memory_space<vmem>>, %arg2: memref<2x256x1024xf32, #tpu.memory_space<vmem>>, %arg3: memref<8x1x1024xf32, #tpu.memory_space<vmem>>, %arg4: memref<512x1024xf32, #tpu.memory_space<vmem>>) attributes {dimension_semantics = [#tpu.dimension_semantics<arbitrary>], iteration_bounds = array<i64: 8>, scalar_prefetch = 0 : i64, scratch_operands = 0 : i64, tpu.core_type = #tpu.core_type<tc>, window_params = [{transform_indices = @transform_0, window_bounds = array<i64: 256, 512>}, {pipeline_mode = #tpu.pipeline_mode<synchronous>, transform_indices = @transform_1, window_bounds = array<i64: 2, 256, 1024>}, {pipeline_mode = #tpu.pipeline_mode<synchronous>, transform_indices = @transform_2, window_bounds = array<i64: 8, 1, 1024>}, {transform_indices = @transform_3, window_bounds = array<i64: 512, 1024>}]} {
    %get3A = arith.constant 0 : index
    %get3A_0 = arith.constant 0 : index
    %get3A_1 = arith.constant 0 : index
    %get3A_2 = vector.load %arg2[%get3A, %get3A_0, %get3A_1] : memref<2x256x1024xf32, #tpu.memory_space<vmem>>, vector<2x256x1024xf32>
    %slice3A = vector.extract_strided_slice %get3A_2 {offsets = [0, 0, 0], sizes = [1, 256, 1024], strides = [1, 1, 1]} : vector<2x256x1024xf32> to vector<1x256x1024xf32>
    %squeeze3A = vector.shape_cast %slice3A : vector<1x256x1024xf32> to vector<256x1024xf32>
    %slice3A_3 = vector.extract_strided_slice %get3A_2 {offsets = [1, 0, 0], sizes = [1, 256, 1024], strides = [1, 1, 1]} : vector<2x256x1024xf32> to vector<1x256x1024xf32>
    %squeeze3A_4 = vector.shape_cast %slice3A_3 : vector<1x256x1024xf32> to vector<256x1024xf32>
    %add3A = arith.addf %squeeze3A, %squeeze3A_4 : vector<256x1024xf32>
    %get3A_5 = arith.constant 0 : index
    %get3A_6 = arith.constant 0 : index
    %get3A_7 = arith.constant 0 : index
    %get3A_8 = vector.load %arg3[%get3A_5, %get3A_6, %get3A_7] : memref<8x1x1024xf32, #tpu.memory_space<vmem>>, vector<8x1x1024xf32>
    %squeeze3A_9 = vector.shape_cast %get3A_8 : vector<8x1x1024xf32> to vector<8x1024xf32>
    %reduce_sum3A = arith.constant dense<0.000000e+00> : vector<1024xf32>
    %reduce_sum3A_10 = vector.multi_reduction <add>, %squeeze3A_9, %reduce_sum3A [0] : vector<8x1024xf32> to vector<1024xf32>
    %broadcast_in_dim3A = vector.shape_cast %reduce_sum3A_10 : vector<1024xf32> to vector<1x1024xf32>
    %max3A = arith.constant 1.000000e+00 : f32
    %max3A_11 = vector.broadcast %max3A : f32 to vector<1x1024xf32>
    %max3A_12 = arith.maximumf %broadcast_in_dim3A, %max3A_11 : vector<1x1024xf32>
    %div3A = vector.broadcast %max3A_12 : vector<1x1024xf32> to vector<256x1024xf32>
    %div3A_13 = arith.divf %add3A, %div3A : vector<256x1024xf32>
    %get3A_14 = arith.constant 0 : index
    %get3A_15 = arith.constant 0 : index
    %get3A_16 = vector.load %arg1[%get3A_14, %get3A_15] : memref<256x512xf32, #tpu.memory_space<vmem>>, vector<256x512xf32>
    %dot_general3A = arith.constant dense<0.000000e+00> : vector<512x1024xf32>
    %dot_general3A_17 = tpu.matmul %get3A_16, %div3A_13, %dot_general3A {dimension_numbers = #tpu.dot_dimension_numbers<[0], [0], [1], [1], [0, 1, 1, 1], [], []>, transpose_lhs_hint = false} : vector<256x512xf32>, vector<256x1024xf32>, vector<512x1024xf32> -> vector<512x1024xf32>
    %broadcast_in_dim3A_18 = arith.constant 1.000000e+00 : f32
    %broadcast_in_dim3A_19 = vector.broadcast %broadcast_in_dim3A_18 : f32 to vector<1x256xf32>
    %mul3A = arith.mulf %div3A_13, %div3A_13 : vector<256x1024xf32>
    %dot_general3A_20 = arith.constant dense<0.000000e+00> : vector<1x1024xf32>
    %dot_general3A_21 = tpu.matmul %broadcast_in_dim3A_19, %mul3A, %dot_general3A_20 {dimension_numbers = #tpu.dot_dimension_numbers<[1], [0], [0], [1], [0, 0, 1, 1], [], []>, precision = #tpu.contract_precision<fp32>, transpose_lhs_hint = false} : vector<1x256xf32>, vector<256x1024xf32>, vector<1x1024xf32> -> vector<1x1024xf32>
    %mul3A_22 = arith.mulf %get3A_16, %get3A_16 : vector<256x512xf32>
    %broadcast_in_dim3A_23 = arith.constant 1.000000e+00 : f32
    %broadcast_in_dim3A_24 = vector.broadcast %broadcast_in_dim3A_23 : f32 to vector<1x256xf32>
    %dot_general3A_25 = arith.constant dense<0.000000e+00> : vector<512x1xf32>
    %dot_general3A_26 = tpu.matmul %mul3A_22, %broadcast_in_dim3A_24, %dot_general3A_25 {dimension_numbers = #tpu.dot_dimension_numbers<[0], [1], [1], [0], [0, 1, 1, 0], [], []>, precision = #tpu.contract_precision<fp32>, transpose_lhs_hint = false} : vector<256x512xf32>, vector<1x256xf32>, vector<512x1xf32> -> vector<512x1xf32>
    %add3A_27 = vector.broadcast %dot_general3A_26 : vector<512x1xf32> to vector<512x1024xf32>
    %add3A_28 = vector.broadcast %dot_general3A_21 : vector<1x1024xf32> to vector<512x1024xf32>
    %add3A_29 = arith.addf %add3A_27, %add3A_28 : vector<512x1024xf32>
    %mul3A_30 = arith.constant 2.000000e+00 : f32
    %mul3A_31 = vector.broadcast %mul3A_30 : f32 to vector<512x1024xf32>
    %mul3A_32 = arith.mulf %mul3A_31, %dot_general3A_17 : vector<512x1024xf32>
    %sub3A = arith.subf %add3A_29, %mul3A_32 : vector<512x1024xf32>
    %max3A_33 = arith.constant 0.000000e+00 : f32
    %max3A_34 = vector.broadcast %max3A_33 : f32 to vector<512x1024xf32>
    %max3A_35 = arith.maximumf %sub3A, %max3A_34 : vector<512x1024xf32>
    %gt3A = arith.constant 0.000000e+00 : f32
    %gt3A_36 = vector.broadcast %gt3A : f32 to vector<1x1024xf32>
    %gt3A_37 = arith.cmpf ogt, %broadcast_in_dim3A, %gt3A_36 : vector<1x1024xf32>
    %add3A_38 = arith.constant 1.000000e+00 : f32
    %add3A_39 = vector.broadcast %add3A_38 : f32 to vector<512x1024xf32>
    %add3A_40 = arith.addf %add3A_39, %max3A_35 : vector<512x1024xf32>
    %div3A_41 = arith.constant 1.000000e+00 : f32
    %div3A_42 = vector.broadcast %div3A_41 : f32 to vector<512x1024xf32>
    %div3A_43 = arith.divf %div3A_42, %add3A_40 : vector<512x1024xf32>
    %jit3A = arith.constant 0.000000e+00 : f32
    %broadcast_in_dim3A_44 = vector.shape_cast %gt3A_37 : vector<1x1024xi1> to vector<1x1024xi1>
    %broadcast_in_dim3A_45 = vector.broadcast %broadcast_in_dim3A_44 : vector<1x1024xi1> to vector<512x1024xi1>
    %broadcast_in_dim3A_46 = vector.broadcast %jit3A : f32 to vector<512x1024xf32>
    %select_n3A = arith.select %broadcast_in_dim3A_45, %div3A_43, %broadcast_in_dim3A_46 : vector<512x1024xi1>, vector<512x1024xf32>
    %reduce_sum3A_47 = arith.constant dense<0.000000e+00> : vector<512xf32>
    %reduce_sum3A_48 = vector.multi_reduction <add>, %select_n3A, %reduce_sum3A_47 [1] : vector<512x1024xf32> to vector<512xf32>
    %broadcast_in_dim3A_49 = vector.shape_cast %reduce_sum3A_48 : vector<512xf32> to vector<512x1xf32>
    %div3A_50 = vector.broadcast %broadcast_in_dim3A_49 : vector<512x1xf32> to vector<512x1024xf32>
    %div3A_51 = arith.divf %select_n3A, %div3A_50 : vector<512x1024xf32>
    %swap3A = arith.constant 0 : index
    %swap3A_52 = arith.constant 0 : index
    %swap3A_53 = vector.load %arg4[%swap3A, %swap3A_52] : memref<512x1024xf32, #tpu.memory_space<vmem>>, vector<512x1024xf32>
    tpu.vector_store %arg4[%swap3A, %swap3A_52], %div3A_51 {strides = array<i32>} : memref<512x1024xf32, #tpu.memory_space<vmem>>, vector<512x1024xf32>,
    return
  }
  func.func @transform_0(%arg0: i32) -> (i32, i32) {
    %c0_i32 = arith.constant 0 : i32
    %c0_i32_0 = arith.constant 0 : i32
    return %c0_i32, %arg0 : i32, i32
  }
  func.func @transform_1(%arg0: i32) -> (i32, i32, i32) {
    %c0_i32 = arith.constant 0 : i32
    %c0_i32_0 = arith.constant 0 : i32
    %c0_i32_1 = arith.constant 0 : i32
    %c0_i32_2 = arith.constant 0 : i32
    return %c0_i32, %c0_i32_0, %c0_i32_1 : i32, i32, i32
  }
  func.func @transform_2(%arg0: i32) -> (i32, i32, i32) {
    %c0_i32 = arith.constant 0 : i32
    %c0_i32_0 = arith.constant 0 : i32
    %c0_i32_1 = arith.constant 0 : i32
    %c0_i32_2 = arith.constant 0 : i32
    return %c0_i32, %c0_i32_0, %c0_i32_1 : i32, i32, i32
  }
  func.func @transform_3(%arg0: i32) -> (i32, i32) {
    %c0_i32 = arith.constant 0 : i32
    %c0_i32_0 = arith.constant 0 : i32
    return %arg0, %c0_i32 : i32, i32
  }
}

</mosaic_0001>

<sc_bundles>
// kernel: kernel.5.cloned.1.call-start
scs
__scs_entry_jumppad:
0x0: {  	(pc) =	sbr.rel $0x88, $3  }
0x1: {  	(tag) =	ssettag $0x0;
	lr =	simm.s32 $0x1  }
0x2: {  	[smem:$0x3F9C] =	sst lr;
	_ =	strace $0xD0000000  }
0x3: {  	_ = 	snop  }
0x4: {  	_ = 	snop  }
0x5: {  	_ = 	snop  }
0x6: {  	_ = 	snop  }
0x7: {  	_ = 	snop  }
__scs_overlays_trampoline_lowered:
0x8: {  	[smem:$0x3FAB] =	sst s0  }
0x9: {  	[smem:$0x3FAC] =	sst s1  }
0xa: {  	[smem:$0x3FAD] =	sst s2  }
0xb: {  	[smem:$0x3FAE] =	sst s3  }
0xc: {  	[smem:$0x3FAF] =	sst s4  }
0xd: {  	[smem:$0x3FB0] =	sst s5  }
0xe: {  	[smem:$0x3FB1] =	sst s6  }
0xf: {  	[smem:$0x3FB2] =	sst s7  }
0x10: {  	[smem:$0x3FB3] =	sst s8  }
0x11: {  	[smem:$0x3FB4] =	sst s9;
	s0 =	simm.s32 @!p0 $0x0  }
0x12: {  	s1 =	sld [smem:$0x3F9A];
	s0 =	simm.s32 @p0 $0x1  }
0x13: {  	[smem:$0x3FB5] =	sst s0;
	s0 =	simm.s32 @!p1 $0x0  }
0x14: {  	s2 =	sld [smem:$0x3F99];
	s0 =	simm.s32 @p1 $0x1  }
0x15: {  	[smem:$0x3FB6] =	sst s0;
	s0 =	simm.s32 @!p2 $0x0  }
0x16: {  	s3 =	sld [smem:$0x3FDB];
	s0 =	simm.s32 @p2 $0x1  }
0x17: {  	s4 =	simm.s32 $0x1BF5;
	[smem:$0x3FB8] =	sst s0  }
0x18: {  	s0 =	sld [smem:$0x3F9B];
	_ =	swait.ge [sflag:s4], $0x0  }
0x19: {  	s7 =	sld [smem:$0x3F9C]  }
0x1a: {  	s8 =	sadd.s32 $0xFFFFE003, lr  }
0x1b: {  	s9 =	sadd.s32 $0xFFFFFEF7, lr;
	s5 =	simm.s32 $0xFFFFFFFF;
	p2 =	slt.u32 s8, $0xFFFFF086  }
0x1c: {  	p1 =	slt.u32 s9, $0xF7A;
	s5 =	simm.s32 @!p2 $0x0  }
0x1d: {  	s5 =	simm.s32 @p1 $0x1;
	p0 =	seq.s32 s7, s2  }
0x1e: {  	s7 =	smul.u32 @!p0 $0xF7A, s2;
	p2 =	seq.s32 @!p0 s5, $0x0  }
0x1f: {  	s9 =	smul.u32 $0xF7A, s1;
	s8 =	simm.s32 @!p0 $0x1BF5;
	p2 =	por !p2, p0  }
0x20: {  	[sflag:s8] =	ssyncset.s32 @!p0 $0xFFFFF086;
	s6 =	sadd.s32 @!p0 s3, s7;
	s7 =	simm.s32 @!p0 $0x108  }
0x21: {  	s3 =	sadd.s32 s3, s9;
	s6 =	sadd.s32 @!p0 $0x88, s6;
	s7 =	simm.s32 @p2 $0x1082  }
0x22: {  	[simem:s7], [sflag:s8] =	dma.local @!p0 [hbm:s6], $0xF7A  }
0x23: {  	s9 =	sor.u32 $0xD0000000, s2;
	s6 =	simm.s32 $0x108;
	_ =	swait.ge @!p0 [sflag:s8], $0x0  }
0x24: {  	s3 =	sadd.s32 $0x88, s3;
	s6 =	simm.s32 @!p1 $0x1082;
	[sflag:s4] =	ssyncset.s32 $0xFFFFF086  }
0x25: {  	[simem:s6], [sflag:s4] =	dma.local [hbm:s3], $0xF7A  }
0x26: {  	[smem:$0x3F9C] =	sst s1;
	(tag) =	ssettag s2;
	_ =	strace s9  }
0x27: {  	s1 =	sld [smem:$0x3FAC]  }
0x28: {  	s2 =	sld [smem:$0x3FAD]  }
0x29: {  	s4 =	sld [smem:$0x3FAF]  }
0x2a: {  	p0 =	seq.s32 s5, $0x0;
	s5 =	sld [smem:$0x3FB0]  }
0x2b: {  	s6 =	sld [smem:$0x3FB1]  }
0x2c: {  	s7 =	sld [smem:$0x3FB2]  }
0x2d: {  	s3 =	simm.s32 $0x108;
	s8 =	sld [smem:$0x3FB3]  }
0x2e: {  	s3 =	simm.s32 @!p0 $0x1082;
	s9 =	sld [smem:$0x3FB4]  }
0x2f: {  	lr =	sadd.s32 s0, s3;
	s0 =	sld [smem:$0x3FAB]  }
0x30: {  	s3 =	sld [smem:$0x3FAE]  }
0x31: {  	[smem:$0x3FB7] =	sst s10  }
0x32: {  	s10 =	sld [smem:$0x3FB5];
	_ =	sdelay $0x3  }
0x33: {  	p0 =	seq.s32 s10, $0x1;
	s10 =	sld [smem:$0x3FB7];
	_ =	sdelay $0x3  }
0x34: {  	[smem:$0x3FB7] =	sst s10  }
0x35: {  	s10 =	sld [smem:$0x3FB6];
	_ =	sdelay $0x3  }
0x36: {  	p1 =	seq.s32 s10, $0x1;
	s10 =	sld [smem:$0x3FB7];
	_ =	sdelay $0x3  }
0x37: {  	[smem:$0x3FB7] =	sst s10  }
0x38: {  	s10 =	sld [smem:$0x3FB8]  }
0x39: {  	_ = 	snop;
	(pc) =	sbr.ind lr, $3  }
0x3a: {  	_ = 	snop  }
0x3b: {  	_ = 	snop  }
0x3c: {  	p2 =	seq.s32 s10, $0x1;
	s10 =	sld [smem:$0x3FB7]  }
0x3d: {  	_ =	shalt  }
0x3e: {  	_ =	shalt  }
0x3f: {  	_ =	shalt  }
0x40: {  	_ =	shalt  }
0x41: {  	_ =	shalt  }
0x42: {  	_ =	shalt  }
0x43: {  	_ =	shalt  }
0x44: {  	_ =	shalt  }
0x45: {  	_ =	shalt  }
0x46: {  	_ =	shalt  }
0x47: {  	_ =	shalt  }
0x48: {  	_ =	shalt  }
0x49: {  	_ =	shalt  }
0x4a: {  	_ =	shalt  }
0x4b: {  	_ =	shalt  }
0x4c: {  	_ =	shalt  }
0x4d: {  	_ =	shalt  }
0x4e: {  	_ =	shalt  }
0x4f: {  	_ =	shalt  }
0x50: {  	_ =	shalt  }
0x51: {  	_ =	shalt  }
0x52: {  	_ =	shalt  }
0x53: {  	_ =	shalt  }
0x54: {  	_ =	shalt  }
0x55: {  	_ =	shalt  }
0x56: {  	_ =	shalt  }
0x57: {  	_ =	shalt  }
0x58: {  	_ =	shalt  }
0x59: {  	_ =	shalt  }
0x5a: {  	_ =	shalt  }
0x5b: {  	_ =	shalt  }
0x5c: {  	_ =	shalt  }
0x5d: {  	_ =	shalt  }
0x5e: {  	_ =	shalt  }
0x5f: {  	_ =	shalt  }
0x60: {  	_ =	shalt  }
0x61: {  	_ =	shalt  }
0x62: {  	_ =	shalt  }
0x63: {  	_ =	shalt  }
0x64: {  	_ =	shalt  }
0x65: {  	_ =	shalt  }
0x66: {  	_ =	shalt  }
0x67: {  	_ =	shalt  }
0x68: {  	_ =	shalt  }
0x69: {  	_ =	shalt  }
0x6a: {  	_ =	shalt  }
0x6b: {  	_ =	shalt  }
0x6c: {  	_ =	shalt  }
0x6d: {  	_ =	shalt  }
0x6e: {  	_ =	shalt  }
0x6f: {  	_ =	shalt  }
0x70: {  	_ =	shalt  }
0x71: {  	_ =	shalt  }
0x72: {  	_ =	shalt  }
0x73: {  	_ =	shalt  }
0x74: {  	_ =	shalt  }
0x75: {  	_ =	shalt  }
0x76: {  	_ =	shalt  }
0x77: {  	_ =	shalt  }
0x78: {  	_ =	shalt  }
0x79: {  	_ =	shalt  }
0x7a: {  	_ =	shalt  }
0x7b: {  	_ =	shalt  }
0x7c: {  	_ =	shalt  }
0x7d: {  	_ =	shalt  }
0x7e: {  	_ =	shalt  }
0x7f: {  	_ =	shalt  }
0x80: {  	_ =	shalt  }
0x81: {  	_ =	shalt  }
0x82: {  	_ =	shalt  }
0x83: {  	_ =	shalt  }
0x84: {  	_ =	shalt  }
0x85: {  	_ =	shalt  }
0x86: {  	_ =	shalt  }
0x87: {  	_ =	shalt  }
.Lfunc_end0:
.L_simem_size_0:
called_computation_lowered:
.L_overlay_start_0:
0x88: {  	s2 =	sld [smem:$0x3FD9]  }
0x89: {  	s3 =	sld [smem:$0x3FFE];
	_ =	sdelay $0x1  }
0x8a: {  	s1 =	srdreg.scid  }
0x8b: {  	s0 =	sand.u32 $0x1, s1  }
0x8c: {  	s17 =	sshll.u32 s0, $0xA;
	s2 =	sadd.s32 s3, s2  }
0x8d: {  	s2 =	sadd.s32 s2, s17  }
0x8e: {  	[smem:$0x3FC3] =	sst s2  }
0x8f: {  	_ = 	snop  }
0x90: {  	s2 =	sld [smem:$0x3FD0];
	(tm) =	ssettm $0x1  }
0x91: {  	s18 =	sld [smem:$0x3FFB];
	_ =	sdelay $0x3  }
0x92: {  	_ =	strace s18  }
0x93: {  	s3 =	sld [smem:$0x3FFC];
	_ =	sdelay $0x3  }
0x94: {  	_ =	strace s3  }
0x95: {  	s3 =	sld [smem:$0x3FFD];
	_ =	sdelay $0x3  }
0x96: {  	_ =	strace s3  }
0x97: {  	_ =	strace $0x8FFFFFFF  }
0x98: {  	s19 =	sld [smem:$0x3FDB];
	_ =	sdelay $0x1  }
0x99: {  	s4 =	simm.s32 $_scs_section_size  }
0x9a: {  	s5 =	simm.s32 $_size__tile_overlayer_lowered;
	s6 =	simm.s32 $_tile_overlayer_lowered  }
0x9b: {  	s22 =	simm.s32 $0x1BFF;
	s21 =	sshll.u32 s6, $0x1;
	s3 =	sadd.s32 s4, s19  }
0x9c: {  	s7 =	simm.s32 $0x0;
	s20 =	sshll.u32 s5, $0x1;
	s5 =	sadd.s32 s21, s3  }
0x9d: {  	[timem:s7], [sflag:s22] =	dma.local [hbm:s5], s20  }
0x9e: {  	_ =	swait.ge [sflag:s22], s20  }
0x9f: {  	s4 =	ssub.s32 $0x0, s20;
	[sflag:s22] =	ssyncset.done $0x0  }
0xa0: {  	[sflag:s22] =	ssyncadd.s32 s4;
	_ =	sdelay $0x1  }
0xa1: {  	s23 =	simm.s32 $0x1B8B  }
0xa2: {  	_ =	swait.ge [sflag:s23], $0x1  }
0xa3: {  	[sflag:s23] =	ssyncset.done $0x0  }
0xa4: {  	s25 =	simm.s32 $0x1B8E;
	s24 =	sld [smem:$0x3FFE];
	[sflag:s23] =	ssyncadd.s32 $0xFFFFFFFF  }
0xa5: {  	s26 =	simm.s32 $execute0_lowered;
	[smem:$0x3FD2] =	sst s25  }
0xa6: {  	s5 =	sshll.u32 s26, $0x1;
	_ =	strace $0x80000046;
	[dreg:$0x1] =	wrdreg $0xFFFFFFFF  }
0xa7: {  	s28 =	simm.s32 $_size_execute0_lowered;
	s3 =	sadd.s32 s3, s5;
	[dreg:$0x0] =	wrdreg $0x0  }
0xa8: {  	s5 =	sshll.u32 s28, $0x1;
	[dreg:$0x2] =	wrdreg s3  }
0xa9: {  	[dreg:$0x3] =	wrdreg s5  }
0xaa: {  	[dreg:$0x4] =	wrdreg $0xC0  }
0xab: {  	_ =	task [dreg:s7], $0x5FFFF  }
0xac: {  	[dreg:$0x1] =	wrdreg $0xFFFFFFFF  }
0xad: {  	[dreg:$0x0] =	wrdreg $0x60  }
0xae: {  	[dreg:$0x2] =	wrdreg s2  }
0xaf: {  	[dreg:$0x3] =	wrdreg s24  }
0xb0: {  	[dreg:$0x4] =	wrdreg $0x9  }
0xb1: {  	_ =	task.clear_ibuf [dreg:s7], $0x5FFFF;
	_ =	strace $0x90000046  }
0xb2: {  	s29 =	simm.s32 $0x9;
	_ =	strace $0x80000048  }
0xb3: {  	_ =	swait.ge [sflag:s29], $0x1  }
0xb4: {  	[sflag:s29] =	ssyncadd.s32 $0xFFFFFFFF  }
0xb5: {  	_ =	strace $0x90000048  }
0xb6: {  	_ =	sfence  }
0xb7: {  	s30 =	sld [smem:$0x0];
	_ =	sdelay $0x2  }
0xb8: {  	s31 =	sshll.u32 s1, $0xD;
	s1 =	sshrl.u32 s1, $0x2  }
0xb9: {  	s3 =	sand.u32 $0x4000, s31;
	s1 =	sadd.s32 s1, s30  }
0xba: {  	s0 =	sor.u32 s3, s0;
	s1 =	sshll.u32 s1, $0x11  }
0xbb: {  	s0 =	sor.u32 s1, s0  }
0xbc: {  	s0 =	sadd.s32 $0x8F2B, s0  }
0xbd: {  	[sflag:s0] =	ssyncadd.remote.s32 $0x1  }
0xbe: {  	_ =	sfence.sel $0xFFFF  }
0xbf: {  	[dreg:$0x0] =	wrdreg $0xFFFFFFFF;
	(pc) =	sbr.abs _section_cstart, $3  }
0xc0: {  	[dreg:$0x1] =	wrdreg $0xFFFFFFFF  }
0xc1: {  	_ =	task.clear_ibuf [dreg:s7], $0x2FFFF;
	_ =	strace $0x9FFFFFFF  }
0xc2: {  	(tm) =	ssettm $0x7FFFFFFF  }
0xc3: {  	_ =	shalt  }
tec
execute0_lowered:
.L_overlay_start_1:
0x0: {  	(tag) =	ssettag $0x1  }
0x1: {  	s0 =	rddreg [dreg:$0x0]  }
0x2: {  	s1 =	rddreg [dreg:$0x1];
	s2 =	srdreg.scid  }
0x3: {  	s8 =	simm.s32 $0x0;
	s7 =	stileid.u32;
	s28 =	simm.s32 $0x3  }
0x4: {  	s29 =	simm.s32 $0x0;
	s2 =	sand.u32 $0x1, s2;
	[smem:$0x7FF] =	sst s8  }
0x5: {  	s4 =	sshll.u32 s7, $0xB;
	s7 =	sshll.u32 s7, $0xD;
	s3 =	sshll.u32 s2, $0x8  }
0x6: {  	_ =	strace $0x80000047;
	s5 =	ssub.s32 $0x2, s2;
	s6 =	sshll.u32 s2, $0xB  }
0x7: {  	s31 =	sshll.u32 s2, $0xF;
	s3 =	sadd.s32 s3, s1;
	s22 =	sshrl.u32 s5, $0x1  }
0x8: {  	s1 =	sadd.s32 s4, s1;
	s6 =	sor.u32 s6, s7;
	s5 =	ssub.s32 s5, s22  }
0x9: {  	s3 =	sadd.s32 $0xA00, s3;
	s4 =	sadd.s32 s0, s6;
	s22 =	simm.s32 $0x80  }
0xa: {  	[dreg:$0x3] =	wrdreg s3;
	s0 =	sadd.s32 $0x10, s4;
	s23 =	sadd.s32 $0x20, s4  }
0xb: {  	s24 =	sadd.s32 $0x30, s4;
	s25 =	sadd.s32 $0x40, s4;
	s26 =	sadd.s32 $0x50, s4  }
0xc: {  	s30 =	sadd.s32 $0x60, s4;
	s11 =	sadd.s32 $0x70, s4;
	[dreg:$0x4] =	wrdreg s0  }
0xd: {  	s12 =	sadd.s32 $0x1000, s4;
	s13 =	sadd.s32 $0x1010, s4;
	[dreg:$0x5] =	wrdreg s23  }
0xe: {  	s14 =	sadd.s32 $0x1020, s4;
	s15 =	sadd.s32 $0x1030, s4;
	[dreg:$0x6] =	wrdreg s24  }
0xf: {  	s16 =	sadd.s32 $0x1040, s4;
	s17 =	sadd.s32 $0x1050, s4;
	[dreg:$0x7] =	wrdreg s25  }
0x10: {  	s18 =	sadd.s32 $0x1060, s4;
	s19 =	sadd.s32 $0x1070, s4;
	[dreg:$0x8] =	wrdreg s26  }
0x11: {  	s21 =	smax.u32 s5, $0x1;
	[dreg:$0x9] =	wrdreg s30;
	s0 =	sadd.s32 s31, s1  }
0x12: {  	v2 =	vlaneseq.u32;
	s23 =	simm.s32 $0x400;
	s24 =	simm.s32 $0x800;
	s1 =	simm.s32 $0x1  }
0x13: {  	v0 =	vimm.f32 $0.0e+00;
	v1 =	vmul.u32 $0x800, v2;
	v2 =	vmul.u32 $0x400, v2;
	s25 =	simm.s32 $0x2;
	s26 =	simm.s32 $0x8800;
	s20 =	sadd.s32 $0xC00, s0  }
.LBB2_1:
0x14: {  	s0 =	rddreg [dreg:$0x3]  }
0x15: {  	[tilespmem:s8], [sflag:$0x1] =	stream.linear.gather [hbm4b:s0+s8], $0x800, $0x38;
	[tilespmem:$0xC800] =	vst v63  }
0x16: {  	_ = 	snop  }
0x17: {  	[tilespmem:s24], [sflag:$0x2] =	stream.strided.gather [hbm4b:s4+s22], $0x800, s23, s22, $0x38;
	[tilespmem:$0xC800] =	vst v63  }
0x18: {  	s31 =	rddreg [dreg:$0x4];
	s2 =	simm.s32 $0x1000  }
0x19: {  	[tilespmem:s2], [sflag:$0x2] =	stream.strided.gather [hbm4b:s31+s22], $0x800, s23, s22, $0x38;
	[tilespmem:$0xC800] =	vst v63  }
0x1a: {  	s3 =	simm.s32 $0x1800;
	s2 =	rddreg [dreg:$0x5]  }
0x1b: {  	[tilespmem:s3], [sflag:$0x2] =	stream.strided.gather [hbm4b:s2+s22], $0x800, s23, s22, $0x38;
	[tilespmem:$0xC800] =	vst v63  }
0x1c: {  	s5 =	rddreg [dreg:$0x6];
	s6 =	simm.s32 $0x2000  }
0x1d: {  	[tilespmem:s6], [sflag:$0x2] =	stream.strided.gather [hbm4b:s5+s22], $0x800, s23, s22, $0x38;
	[tilespmem:$0xC800] =	vst v63  }
0x1e: {  	s7 =	rddreg [dreg:$0x7];
	s8 =	simm.s32 $0x2800  }
0x1f: {  	[tilespmem:s8], [sflag:$0x2] =	stream.strided.gather [hbm4b:s7+s22], $0x800, s23, s22, $0x38;
	[tilespmem:$0xC800] =	vst v63  }
0x20: {  	s9 =	rddreg [dreg:$0x8];
	s10 =	simm.s32 $0x3000  }
0x21: {  	[tilespmem:s10], [sflag:$0x2] =	stream.strided.gather [hbm4b:s9+s22], $0x800, s23, s22, $0x38;
	[tilespmem:$0xC800] =	vst v63  }
0x22: {  	s30 =	rddreg [dreg:$0x9];
	s31 =	simm.s32 $0x3800  }
0x23: {  	[tilespmem:s31], [sflag:$0x2] =	stream.strided.gather [hbm4b:s30+s22], $0x800, s23, s22, $0x38;
	[tilespmem:$0xC800] =	vst v63  }
0x24: {  	s3 =	simm.s32 $0x4000  }
0x25: {  	[tilespmem:s3], [sflag:$0x2] =	stream.strided.gather [hbm4b:s11+s22], $0x800, s23, s22, $0x38;
	[tilespmem:$0xC800] =	vst v63  }
0x26: {  	s5 =	simm.s32 $0x4800  }
0x27: {  	[tilespmem:s5], [sflag:$0x2] =	stream.strided.gather [hbm4b:s12+s22], $0x800, s23, s22, $0x38;
	[tilespmem:$0xC800] =	vst v63  }
0x28: {  	s6 =	simm.s32 $0x5000  }
0x29: {  	[tilespmem:s6], [sflag:$0x2] =	stream.strided.gather [hbm4b:s13+s22], $0x800, s23, s22, $0x38;
	[tilespmem:$0xC800] =	vst v63  }
0x2a: {  	s7 =	simm.s32 $0x5800  }
0x2b: {  	[tilespmem:s7], [sflag:$0x2] =	stream.strided.gather [hbm4b:s14+s22], $0x800, s23, s22, $0x38;
	[tilespmem:$0xC800] =	vst v63  }
0x2c: {  	s8 =	simm.s32 $0x6000  }
0x2d: {  	[tilespmem:s8], [sflag:$0x2] =	stream.strided.gather [hbm4b:s15+s22], $0x800, s23, s22, $0x38;
	[tilespmem:$0xC800] =	vst v63  }
0x2e: {  	s9 =	simm.s32 $0x6800  }
0x2f: {  	[tilespmem:s9], [sflag:$0x2] =	stream.strided.gather [hbm4b:s16+s22], $0x800, s23, s22, $0x38;
	[tilespmem:$0xC800] =	vst v63  }
0x30: {  	s10 =	simm.s32 $0x7000  }
0x31: {  	[tilespmem:s10], [sflag:$0x2] =	stream.strided.gather [hbm4b:s17+s22], $0x800, s23, s22, $0x38;
	[tilespmem:$0xC800] =	vst v63  }
0x32: {  	s30 =	simm.s32 $0x7800  }
0x33: {  	[tilespmem:s30], [sflag:$0x2] =	stream.strided.gather [hbm4b:s18+s22], $0x800, s23, s22, $0x38;
	[tilespmem:$0xC800] =	vst v63  }
0x34: {  	s0 =	simm.s32 $0x8840;
	s31 =	simm.s32 $0x8000  }
0x35: {  	[tilespmem:s31], [sflag:$0x2] =	stream.strided.gather [hbm4b:s19+s22], $0x800, s23, s22, $0x38;
	[tilespmem:$0xC800] =	vst v63  }
0x36: {  	[tilespmem:s0+$0xFFFFFFC0] =	vst v0  }
0x37: {  	[tilespmem:s0+$0x30] =	vst v0  }
0x38: {  	[tilespmem:s0+$0x20] =	vst v0  }
0x39: {  	[tilespmem:s0+$0x10] =	vst v0  }
0x3a: {  	[tilespmem:s0+$0x0] =	vst v0  }
0x3b: {  	[tilespmem:s0+$0xFFFFFFF0] =	vst v0  }
0x3c: {  	s2 =	simm.s32 $0x0;
	[tilespmem:s0+$0xFFFFFFE0] =	vst v0  }
.LBB2_2:
0x3d: {  	s2 =	sadd.s32 $0x8, s2;
	[tilespmem:s0+$0xFFFFFFD0] =	vst v0;
	s0 =	sadd.s32 $0x80, s0  }
0x3e: {  	[tilespmem:s0+$0xFFFFFFC0] =	vst v0;
	p0 =	slt.u32 s2, $0x3F8  }
0x3f: {  	[tilespmem:s0+$0x30] =	vst v0  }
.Ltmp0:
0x40: {  	[tilespmem:s0+$0x20] =	vst v0;
	(pc) =	sbr.rel @p0 .LBB2_2-.Ltmp0, $4  }
0x41: {  	[tilespmem:s0+$0x10] =	vst v0  }
0x42: {  	[tilespmem:s0+$0x0] =	vst v0  }
0x43: {  	[tilespmem:s0+$0xFFFFFFF0] =	vst v0  }
0x44: {  	[tilespmem:s0+$0xFFFFFFE0] =	vst v0  }
0x45: {  	[tilespmem:s0+$0xFFFFFFD0] =	vst v0  }
0x46: {  	_ =	swait.ge [sflag:s1], $0x800  }
0x47: {  	[sflag:s1] =	ssyncset.done $0x0  }
0x48: {  	[sflag:s1] =	ssyncadd.s32 $0xFFFFF800  }
0x49: {  	_ =	swait.ge [sflag:s25], $0x800  }
0x4a: {  	[sflag:s25] =	ssyncset.done $0x0  }
0x4b: {  	[sflag:s25] =	ssyncadd.s32 $0xFFFFF800  }
0x4c: {  	_ =	swait.ge [sflag:s25], $0x800  }
0x4d: {  	[sflag:s25] =	ssyncset.done $0x0  }
0x4e: {  	[sflag:s25] =	ssyncadd.s32 $0xFFFFF800  }
0x4f: {  	_ =	swait.ge [sflag:s25], $0x800  }
0x50: {  	[sflag:s25] =	ssyncset.done $0x0  }
0x51: {  	[sflag:s25] =	ssyncadd.s32 $0xFFFFF800  }
0x52: {  	_ =	swait.ge [sflag:s25], $0x800  }
0x53: {  	[sflag:s25] =	ssyncset.done $0x0  }
0x54: {  	[sflag:s25] =	ssyncadd.s32 $0xFFFFF800  }
0x55: {  	_ =	swait.ge [sflag:s25], $0x800  }
0x56: {  	[sflag:s25] =	ssyncset.done $0x0  }
0x57: {  	[sflag:s25] =	ssyncadd.s32 $0xFFFFF800  }
0x58: {  	_ =	swait.ge [sflag:s25], $0x800  }
0x59: {  	[sflag:s25] =	ssyncset.done $0x0  }
0x5a: {  	[sflag:s25] =	ssyncadd.s32 $0xFFFFF800  }
0x5b: {  	_ =	swait.ge [sflag:s25], $0x800  }
0x5c: {  	[sflag:s25] =	ssyncset.done $0x0  }
0x5d: {  	[sflag:s25] =	ssyncadd.s32 $0xFFFFF800  }
0x5e: {  	_ =	swait.ge [sflag:s25], $0x800  }
0x5f: {  	[sflag:s25] =	ssyncset.done $0x0  }
0x60: {  	[sflag:s25] =	ssyncadd.s32 $0xFFFFF800  }
0x61: {  	_ =	swait.ge [sflag:s25], $0x800  }
0x62: {  	[sflag:s25] =	ssyncset.done $0x0  }
0x63: {  	[sflag:s25] =	ssyncadd.s32 $0xFFFFF800  }
0x64: {  	_ =	swait.ge [sflag:s25], $0x800  }
0x65: {  	[sflag:s25] =	ssyncset.done $0x0  }
0x66: {  	[sflag:s25] =	ssyncadd.s32 $0xFFFFF800  }
0x67: {  	_ =	swait.ge [sflag:s25], $0x800  }
0x68: {  	[sflag:s25] =	ssyncset.done $0x0  }
0x69: {  	[sflag:s25] =	ssyncadd.s32 $0xFFFFF800  }
0x6a: {  	_ =	swait.ge [sflag:s25], $0x800  }
0x6b: {  	[sflag:s25] =	ssyncset.done $0x0  }
0x6c: {  	[sflag:s25] =	ssyncadd.s32 $0xFFFFF800  }
0x6d: {  	_ =	swait.ge [sflag:s25], $0x800  }
0x6e: {  	[sflag:s25] =	ssyncset.done $0x0  }
0x6f: {  	[sflag:s25] =	ssyncadd.s32 $0xFFFFF800  }
0x70: {  	_ =	swait.ge [sflag:s25], $0x800  }
0x71: {  	[sflag:s25] =	ssyncset.done $0x0  }
0x72: {  	[sflag:s25] =	ssyncadd.s32 $0xFFFFF800  }
0x73: {  	_ =	swait.ge [sflag:s25], $0x800  }
0x74: {  	[sflag:s25] =	ssyncset.done $0x0  }
0x75: {  	[sflag:s25] =	ssyncadd.s32 $0xFFFFF800  }
0x76: {  	_ =	swait.ge [sflag:s25], $0x800  }
0x77: {  	[sflag:s25] =	ssyncset.done $0x0  }
0x78: {  	s7 =	simm.s32 $0x10;
	[sflag:s25] =	ssyncadd.s32 $0xFFFFF800  }
0x79: {  	v4 =	vld [tilespmem:s7+$0x0]  }
0x7a: {  	s2 =	simm.s32 $0x10  }
0x7b: {  	v3 =	vor.u32 s2, v1;
	v5 =	vld [tilespmem:s7+$0xFFFFFFF0]  }
0x7c: {  	s8 =	simm.s32 $0x0  }
0x7d: {  	v6 =	vor.u32 s8, v1  }
0x7e: {  	v7 =	vbroadcast v4, $0x0;
	_ =	sdelay $0x1  }
0x7f: {  	s9 =	simm.s32 $0x11;
	v3 =	vld.idx.msk [tilespmem:v3+s24+$0x0], $0xffff;
	v8 =	vbroadcast v5, $0x0;
	v7 =	vadd.s32 v2, v7  }
0x80: {  	v9 =	vor.u32 s9, v1  }
0x81: {  	s10 =	simm.s32 $0x1;
	v6 =	vld.idx.msk [tilespmem:v6+s24+$0x0], $0xffff;
	v8 =	vadd.s32 v2, v8  }
0x82: {  	v10 =	vor.u32 s10, v1  }
0x83: {  	v11 =	vbroadcast v4, $0x1  }
0x84: {  	[tilespmem:v7+s26+$0x0] =	vst.idx.add.f32.msk $0xffff, v3  }
0x85: {  	s2 =	simm.s32 $0x12;
	v3 =	vbroadcast v5, $0x1;
	v7 =	vld.idx.msk [tilespmem:v9+s24+$0x0], $0xffff;
	v9 =	vadd.s32 v2, v11  }
0x86: {  	[tilespmem:v8+s26+$0x0] =	vst.idx.add.f32.msk $0xffff, v6;
	v6 =	vor.u32 s2, v1  }
0x87: {  	s3 =	simm.s32 $0x2;
	v8 =	vld.idx.msk [tilespmem:v10+s24+$0x0], $0xffff;
	v3 =	vadd.s32 v2, v3  }
0x88: {  	v10 =	vor.u32 s3, v1  }
0x89: {  	v11 =	vbroadcast v4, $0x2  }
0x8a: {  	[tilespmem:v9+s26+$0x0] =	vst.idx.add.f32.msk $0xffff, v7  }
0x8b: {  	s5 =	simm.s32 $0x13;
	v7 =	vbroadcast v5, $0x2;
	v9 =	vadd.s32 v2, v11;
	v6 =	vld.idx.msk [tilespmem:v6+s24+$0x0], $0xffff  }
0x8c: {  	[tilespmem:v3+s26+$0x0] =	vst.idx.add.f32.msk $0xffff, v8;
	v3 =	vor.u32 s5, v1  }
0x8d: {  	s6 =	simm.s32 $0x3;
	v7 =	vadd.s32 v2, v7;
	v8 =	vld.idx.msk [tilespmem:v10+s24+$0x0], $0xffff  }
0x8e: {  	v10 =	vor.u32 s6, v1  }
0x8f: {  	v11 =	vbroadcast v4, $0x3  }
0x90: {  	[tilespmem:v9+s26+$0x0] =	vst.idx.add.f32.msk $0xffff, v6  }
0x91: {  	s7 =	simm.s32 $0x14;
	v6 =	vbroadcast v5, $0x3;
	v9 =	vadd.s32 v2, v11;
	v3 =	vld.idx.msk [tilespmem:v3+s24+$0x0], $0xffff  }
0x92: {  	[tilespmem:v7+s26+$0x0] =	vst.idx.add.f32.msk $0xffff, v8;
	v7 =	vor.u32 s7, v1  }
0x93: {  	s8 =	simm.s32 $0x4;
	v6 =	vadd.s32 v2, v6;
	v8 =	vld.idx.msk [tilespmem:v10+s24+$0x0], $0xffff  }
0x94: {  	v10 =	vor.u32 s8, v1  }
0x95: {  	v11 =	vbroadcast v4, $0x4  }
0x96: {  	[tilespmem:v9+s26+$0x0] =	vst.idx.add.f32.msk $0xffff, v3  }
0x97: {  	s9 =	simm.s32 $0x15;
	v3 =	vbroadcast v5, $0x4;
	v9 =	vadd.s32 v2, v11;
	v7 =	vld.idx.msk [tilespmem:v7+s24+$0x0], $0xffff  }
0x98: {  	[tilespmem:v6+s26+$0x0] =	vst.idx.add.f32.msk $0xffff, v8;
	v6 =	vor.u32 s9, v1  }
0x99: {  	s10 =	simm.s32 $0x5;
	v3 =	vadd.s32 v2, v3;
	v8 =	vld.idx.msk [tilespmem:v10+s24+$0x0], $0xffff  }
0x9a: {  	v10 =	vor.u32 s10, v1  }
0x9b: {  	v11 =	vbroadcast v4, $0x5  }
0x9c: {  	[tilespmem:v9+s26+$0x0] =	vst.idx.add.f32.msk $0xffff, v7  }
0x9d: {  	s2 =	simm.s32 $0x16;
	v7 =	vbroadcast v5, $0x5;
	v9 =	vadd.s32 v2, v11;
	v6 =	vld.idx.msk [tilespmem:v6+s24+$0x0], $0xffff  }
0x9e: {  	[tilespmem:v3+s26+$0x0] =	vst.idx.add.f32.msk $0xffff, v8;
	v3 =	vor.u32 s2, v1  }
0x9f: {  	s3 =	simm.s32 $0x6;
	v7 =	vadd.s32 v2, v7;
	v8 =	vld.idx.msk [tilespmem:v10+s24+$0x0], $0xffff  }
0xa0: {  	v10 =	vor.u32 s3, v1  }
0xa1: {  	v11 =	vbroadcast v4, $0x6  }
0xa2: {  	[tilespmem:v9+s26+$0x0] =	vst.idx.add.f32.msk $0xffff, v6  }
0xa3: {  	s5 =	simm.s32 $0x17;
	v6 =	vbroadcast v5, $0x6;
	v9 =	vadd.s32 v2, v11;
	v3 =	vld.idx.msk [tilespmem:v3+s24+$0x0], $0xffff  }
0xa4: {  	[tilespmem:v7+s26+$0x0] =	vst.idx.add.f32.msk $0xffff, v8;
	v7 =	vor.u32 s5, v1  }
0xa5: {  	s6 =	simm.s32 $0x7;
	v6 =	vadd.s32 v2, v6;
	v8 =	vld.idx.msk [tilespmem:v10+s24+$0x0], $0xffff  }
0xa6: {  	v10 =	vor.u32 s6, v1  }
0xa7: {  	v11 =	vbroadcast v4, $0x7  }
0xa8: {  	[tilespmem:v9+s26+$0x0] =	vst.idx.add.f32.msk $0xffff, v3  }
0xa9: {  	s7 =	simm.s32 $0x18;
	v3 =	vbroadcast v5, $0x7;
	v9 =	vadd.s32 v2, v11;
	v7 =	vld.idx.msk [tilespmem:v7+s24+$0x0], $0xffff  }
0xaa: {  	[tilespmem:v6+s26+$0x0] =	vst.idx.add.f32.msk $0xffff, v8;
	v6 =	vor.u32 s7, v1  }
0xab: {  	v3 =	vadd.s32 v2, v3;
	v8 =	vld.idx.msk [tilespmem:v10+s24+$0x0], $0xffff  }
0xac: {  	s8 =	simm.s32 $0x8  }
0xad: {  	v10 =	vor.u32 s8, v1  }
0xae: {  	[tilespmem:v9+s26+$0x0] =	vst.idx.add.f32.msk $0xffff, v7;
	v7 =	vbroadcast v4, $0x8  }
0xaf: {  	v6 =	vld.idx.msk [tilespmem:v6+s24+$0x0], $0xffff  }
0xb0: {  	s9 =	simm.s32 $0x19;
	s10 =	simm.s32 $0x30;
	v9 =	vbroadcast v5, $0x8;
	[tilespmem:v3+s26+$0x0] =	vst.idx.add.f32.msk $0xffff, v8;
	v8 =	vadd.s32 v2, v7  }
0xb1: {  	v11 =	vor.u32 s9, v1;
	v3 =	vld [tilespmem:s10+$0x0]  }
0xb2: {  	s3 =	simm.s32 $0x9;
	v10 =	vld.idx.msk [tilespmem:v10+s24+$0x0], $0xffff;
	v9 =	vadd.s32 v2, v9  }
0xb3: {  	v12 =	vor.u32 s3, v1;
	s5 =	simm.s32 $0x30  }
0xb4: {  	v14 =	vbroadcast v4, $0x9;
	s3 =	simm.s32 $0x20;
	v13 =	vor.u32 s5, v1;
	v7 =	vld [tilespmem:s10+$0xFFFFFFF0]  }
0xb5: {  	v15 =	vor.u32 s3, v1;
	[tilespmem:v8+s26+$0x0] =	vst.idx.add.f32.msk $0xffff, v6  }
0xb6: {  	s6 =	simm.s32 $0x1A;
	v6 =	vbroadcast v5, $0x9;
	v8 =	vld.idx.msk [tilespmem:v11+s24+$0x0], $0xffff;
	v11 =	vadd.s32 v2, v14  }
0xb7: {  	[tilespmem:v9+s26+$0x0] =	vst.idx.add.f32.msk $0xffff, v10;
	v9 =	vbroadcast v3, $0x0;
	v10 =	vor.u32 s6, v1  }
0xb8: {  	v12 =	vld.idx.msk [tilespmem:v12+s24+$0x0], $0xffff;
	v6 =	vadd.s32 v2, v6  }
0xb9: {  	v13 =	vld.idx.msk [tilespmem:v13+s24+$0x0], $0xffff;
	s7 =	simm.s32 $0x31;
	v14 =	vbroadcast v7, $0x0;
	v9 =	vadd.s32 v2, v9  }
0xba: {  	v15 =	vld.idx.msk [tilespmem:v15+s24+$0x0], $0xffff;
	v16 =	vor.u32 s7, v1  }
0xbb: {  	s8 =	simm.s32 $0x21;
	v14 =	vadd.s32 v2, v14;
	[tilespmem:v11+s26+$0x0] =	vst.idx.add.f32.msk $0xffff, v8;
	v8 =	vbroadcast v4, $0xA  }
0xbc: {  	v11 =	vor.u32 s8, v1;
	v10 =	vld.idx.msk [tilespmem:v10+s24+$0x0], $0xffff  }
0xbd: {  	s10 =	simm.s32 $0xA;
	[tilespmem:v6+s26+$0x0] =	vst.idx.add.f32.msk $0xffff, v12;
	v6 =	vadd.s32 v2, v8  }
0xbe: {  	s9 =	simm.s32 $0x1B;
	[tilespmem:v9+s26+$0x0] =	vst.idx.add.f32.msk $0xffff, v13;
	v12 =	vor.u32 s10, v1;
	v8 =	vbroadcast v3, $0x1  }
0xbf: {  	v9 =	vor.u32 s9, v1;
	v13 =	vld.idx.msk [tilespmem:v16+s24+$0x0], $0xffff  }
0xc0: {  	s2 =	simm.s32 $0x32;
	v16 =	vbroadcast v7, $0x1;
	[tilespmem:v14+s26+$0x0] =	vst.idx.add.f32.msk $0xffff, v15;
	v8 =	vadd.s32 v2, v8  }
0xc1: {  	v14 =	vor.u32 s2, v1;
	v11 =	vld.idx.msk [tilespmem:v11+s24+$0x0], $0xffff  }
0xc2: {  	s3 =	simm.s32 $0x22;
	v15 =	vadd.s32 v2, v16;
	[tilespmem:v6+s26+$0x0] =	vst.idx.add.f32.msk $0xffff, v10;
	v6 =	vbroadcast v4, $0xB  }
0xc3: {  	v16 =	vbroadcast v5, $0xA;
	v12 =	vld.idx.msk [tilespmem:v12+s24+$0x0], $0xffff;
	v10 =	vor.u32 s3, v1  }
0xc4: {  	v9 =	vld.idx.msk [tilespmem:v9+s24+$0x0], $0xffff;
	v6 =	vadd.s32 v2, v6  }
0xc5: {  	s5 =	simm.s32 $0x1C;
	v16 =	vadd.s32 v2, v16;
	[tilespmem:v8+s26+$0x0] =	vst.idx.add.f32.msk $0xffff, v13;
	v8 =	vbroadcast v3, $0x2  }
0xc6: {  	v13 =	vor.u32 s5, v1;
	v14 =	vld.idx.msk [tilespmem:v14+s24+$0x0], $0xffff  }
0xc7: {  	v17 =	vbroadcast v7, $0x2;
	s6 =	simm.s32 $0x33;
	[tilespmem:v15+s26+$0x0] =	vst.idx.add.f32.msk $0xffff, v11;
	v8 =	vadd.s32 v2, v8  }
0xc8: {  	v11 =	vor.u32 s6, v1;
	v10 =	vld.idx.msk [tilespmem:v10+s24+$0x0], $0xffff  }
0xc9: {  	s7 =	simm.s32 $0x23;
	v15 =	vadd.s32 v2, v17;
	[tilespmem:v6+s26+$0x0] =	vst.idx.add.f32.msk $0xffff, v9;
	v6 =	vbroadcast v4, $0xC  }
0xca: {  	[tilespmem:v16+s26+$0x0] =	vst.idx.add.f32.msk $0xffff, v12;
	v9 =	vor.u32 s7, v1  }
0xcb: {  	s9 =	simm.s32 $0xB;
	v13 =	vld.idx.msk [tilespmem:v13+s24+$0x0], $0xffff;
	v6 =	vadd.s32 v2, v6  }
0xcc: {  	s8 =	simm.s32 $0x1D;
	[tilespmem:v8+s26+$0x0] =	vst.idx.add.f32.msk $0xffff, v14;
	v8 =	vbroadcast v3, $0x3;
	v14 =	vor.u32 s9, v1  }
0xcd: {  	v12 =	vor.u32 s8, v1;
	v11 =	vld.idx.msk [tilespmem:v11+s24+$0x0], $0xffff  }
0xce: {  	s10 =	simm.s32 $0x34;
	v16 =	vbroadcast v7, $0x3;
	[tilespmem:v15+s26+$0x0] =	vst.idx.add.f32.msk $0xffff, v10;
	v8 =	vadd.s32 v2, v8  }
0xcf: {  	v10 =	vor.u32 s10, v1;
	v9 =	vld.idx.msk [tilespmem:v9+s24+$0x0], $0xffff  }
0xd0: {  	s2 =	simm.s32 $0x24;
	v15 =	vadd.s32 v2, v16;
	v16 =	vbroadcast v5, $0xB;
	[tilespmem:v6+s26+$0x0] =	vst.idx.add.f32.msk $0xffff, v13  }
0xd1: {  	v6 =	vbroadcast v4, $0xD;
	v13 =	vor.u32 s2, v1;
	v14 =	vld.idx.msk [tilespmem:v14+s24+$0x0], $0xffff  }
0xd2: {  	v16 =	vadd.s32 v2, v16;
	v12 =	vld.idx.msk [tilespmem:v12+s24+$0x0], $0xffff  }
0xd3: {  	s3 =	simm.s32 $0x1E;
	v6 =	vadd.s32 v2, v6;
	[tilespmem:v8+s26+$0x0] =	vst.idx.add.f32.msk $0xffff, v11;
	v8 =	vbroadcast v3, $0x4  }
0xd4: {  	v11 =	vor.u32 s3, v1;
	v10 =	vld.idx.msk [tilespmem:v10+s24+$0x0], $0xffff  }
0xd5: {  	s5 =	simm.s32 $0x35;
	v17 =	vbroadcast v7, $0x4;
	[tilespmem:v15+s26+$0x0] =	vst.idx.add.f32.msk $0xffff, v9;
	v8 =	vadd.s32 v2, v8  }
0xd6: {  	v9 =	vld.idx.msk [tilespmem:v13+s24+$0x0], $0xffff;
	v13 =	vor.u32 s5, v1  }
0xd7: {  	s6 =	simm.s32 $0x25;
	v15 =	vadd.s32 v2, v17;
	[tilespmem:v16+s26+$0x0] =	vst.idx.add.f32.msk $0xffff, v14  }
0xd8: {  	s8 =	simm.s32 $0xC;
	[tilespmem:v6+s26+$0x0] =	vst.idx.add.f32.msk $0xffff, v12;
	v6 =	vbroadcast v4, $0xE;
	v12 =	vor.u32 s6, v1  }
0xd9: {  	v14 =	vor.u32 s8, v1;
	v11 =	vld.idx.msk [tilespmem:v11+s24+$0x0], $0xffff  }
0xda: {  	s7 =	simm.s32 $0x1F;
	v6 =	vadd.s32 v2, v6;
	[tilespmem:v8+s26+$0x0] =	vst.idx.add.f32.msk $0xffff, v10;
	v8 =	vbroadcast v3, $0x5  }
0xdb: {  	v10 =	vor.u32 s7, v1;
	v13 =	vld.idx.msk [tilespmem:v13+s24+$0x0], $0xffff  }
0xdc: {  	s9 =	simm.s32 $0x36;
	v16 =	vbroadcast v7, $0x5;
	[tilespmem:v15+s26+$0x0] =	vst.idx.add.f32.msk $0xffff, v9;
	v8 =	vadd.s32 v2, v8  }
0xdd: {  	v9 =	vld.idx.msk [tilespmem:v12+s24+$0x0], $0xffff;
	v12 =	vor.u32 s9, v1  }
0xde: {  	s10 =	simm.s32 $0x26;
	v4 =	vbroadcast v4, $0xF;
	v15 =	vadd.s32 v2, v16;
	v14 =	vld.idx.msk [tilespmem:v14+s24+$0x0], $0xffff  }
0xdf: {  	[tilespmem:v6+s26+$0x0] =	vst.idx.add.f32.msk $0xffff, v11;
	v6 =	vbroadcast v5, $0xC;
	v11 =	vor.u32 s10, v1  }
0xe0: {  	v16 =	vadd.s32 v2, v4;
	v10 =	vld.idx.msk [tilespmem:v10+s24+$0x0], $0xffff  }
0xe1: {  	s2 =	simm.s32 $0xD;
	v4 =	vbroadcast v3, $0x6;
	v17 =	vadd.s32 v2, v6;
	[tilespmem:v8+s26+$0x0] =	vst.idx.add.f32.msk $0xffff, v13  }
0xe2: {  	v8 =	vor.u32 s2, v1;
	v12 =	vld.idx.msk [tilespmem:v12+s24+$0x0], $0xffff  }
0xe3: {  	s5 =	simm.s32 $0x37;
	v13 =	vbroadcast v7, $0x6;
	[tilespmem:v15+s26+$0x0] =	vst.idx.add.f32.msk $0xffff, v9;
	v9 =	vadd.s32 v2, v4  }
0xe4: {  	v20 =	vor.u32 s5, v1;
	v19 =	vld.idx.msk [tilespmem:v11+s24+$0x0], $0xffff  }
0xe5: {  	v18 =	vbroadcast v5, $0xE;
	s7 =	simm.s32 $0x27;
	v6 =	vbroadcast v5, $0xD;
	v13 =	vadd.s32 v2, v13;
	[tilespmem:v16+s26+$0x0] =	vst.idx.add.f32.msk $0xffff, v10  }
0xe6: {  	v30 =	vbroadcast v3, $0x8;
	v27 =	vbroadcast v7, $0xE;
	v16 =	vor.u32 s7, v1;
	[tilespmem:v17+s26+$0x0] =	vst.idx.add.f32.msk $0xffff, v14  }
0xe7: {  	s8 =	simm.s32 $0x28;
	v10 =	vadd.s32 v2, v6;
	v6 =	vadd.s32 v2, v18;
	v18 =	vbroadcast v3, $0x7;
	v8 =	vld.idx.msk [tilespmem:v8+s24+$0x0], $0xffff  }
0xe8: {  	v28 =	vbroadcast v7, $0xF;
	s3 =	simm.s32 $0xE;
	v22 =	vor.u32 s8, v1;
	v5 =	vbroadcast v5, $0xF;
	[tilespmem:v9+s26+$0x0] =	vst.idx.add.f32.msk $0xffff, v12  }
0xe9: {  	s6 =	simm.s32 $0xF;
	v15 =	vor.u32 s3, v1;
	s3 =	simm.s32 $0x38;
	v14 =	vbroadcast v7, $0x7;
	v23 =	vadd.s32 v2, v18;
	v20 =	vld.idx.msk [tilespmem:v20+s24+$0x0], $0xffff  }
0xea: {  	v4 =	vor.u32 s6, v1;
	v25 =	vor.u32 s3, v1;
	v9 =	vbroadcast v7, $0x8;
	[tilespmem:v13+s26+$0x0] =	vst.idx.add.f32.msk $0xffff, v19  }
0xeb: {  	s10 =	simm.s32 $0x2A;
	v5 =	vadd.s32 v2, v5;
	v12 =	vbroadcast v7, $0x9;
	v24 =	vadd.s32 v2, v14;
	v26 =	vld.idx.msk [tilespmem:v16+s24+$0x0], $0xffff  }
0xec: {  	v11 =	vor.u32 s10, v1;
	v14 =	vbroadcast v7, $0xA;
	v21 =	vadd.s32 v2, v9  }
0xed: {  	s5 =	simm.s32 $0x2B;
	s9 =	simm.s32 $0x29;
	v9 =	vbroadcast v7, $0xB;
	v19 =	vadd.s32 v2, v12;
	v12 =	vbroadcast v7, $0xC;
	[tilespmem:v10+s26+$0x0] =	vst.idx.add.f32.msk $0xffff, v8  }
0xee: {  	s6 =	simm.s32 $0x2C;
	v17 =	vor.u32 s9, v1;
	v13 =	vor.u32 s5, v1;
	v18 =	vadd.s32 v2, v14;
	[tilespmem:v23+s26+$0x0] =	vst.idx.add.f32.msk $0xffff, v20  }
0xef: {  	s8 =	simm.s32 $0x2E;
	v14 =	vor.u32 s6, v1;
	v16 =	vadd.s32 v2, v9;
	v12 =	vadd.s32 v2, v12;
	v23 =	vld.idx.msk [tilespmem:v25+s24+$0x0], $0xffff  }
0xf0: {  	s10 =	simm.s32 $0x39;
	s7 =	simm.s32 $0x2D;
	s9 =	simm.s32 $0x2F;
	v9 =	vor.u32 s8, v1;
	v10 =	vbroadcast v7, $0xD;
	[tilespmem:v24+s26+$0x0] =	vst.idx.add.f32.msk $0xffff, v26;
	v26 =	vadd.s32 v2, v30  }
0xf1: {  	s30 =	simm.s32 $0x3F;
	v8 =	vor.u32 s7, v1;
	v7 =	vor.u32 s9, v1;
	v29 =	vld.idx.msk [tilespmem:v15+s24+$0x0], $0xffff;
	v25 =	vor.u32 s10, v1  }
0xf2: {  	s31 =	simm.s32 $0x2;
	s0 =	simm.s32 $0x5F;
	s2 =	simm.s32 $0x50;
	v20 =	vadd.s32 v2, v27;
	v15 =	vadd.s32 v2, v10;
	v10 =	vadd.s32 v2, v28;
	v22 =	vld.idx.msk [tilespmem:v22+s24+$0x0], $0xffff  }
.LBB2_4:
0xf3: {  	s3 =	sadd.s32 $0xFFFFFFE1, s0;
	s5 =	sadd.s32 $0xFFFFFFF1, s0;
	v24 =	vld [tilespmem:s2+$0x0];
	s31 =	sadd.s32 $0x2, s31  }
0xf4: {  	s6 =	sadd.s32 $0xFFFFFFE3, s0;
	v33 =	vld [tilespmem:s2+$0xFFFFFFF0];
	v27 =	vor.u32 s3, v1;
	s3 =	sadd.s32 $0xFFFFFFE2, s0;
	v31 =	vor.u32 s5, v1;
	p0 =	slt.u32 s31, $0x7E  }
0xf5: {  	v35 =	vbroadcast v3, $0x9;
	v34 =	vor.u32 s6, v1;
	s5 =	sadd.s32 $0xFFFFFFE5, s0;
	s6 =	sadd.s32 $0xFFFFFFE6, s0;
	v32 =	vor.u32 s3, v1;
	s3 =	sadd.s32 $0xFFFFFFE4, s0;
	[tilespmem:v26+s26+$0x0] =	vst.idx.add.f32.msk $0xffff, v23  }
0xf6: {  	v28 =	vor.u32 s5, v1;
	v26 =	vor.u32 s6, v1;
	s5 =	sadd.s32 $0xFFFFFFE8, s0;
	s6 =	sadd.s32 $0xFFFFFFE9, s0;
	v30 =	vor.u32 s3, v1;
	s3 =	sadd.s32 $0xFFFFFFE7, s0;
	v36 =	vld.idx.msk [tilespmem:v25+s24+$0x0], $0xffff  }
0xf7: {  	s8 =	sadd.s32 $0xFFFFFFEB, s0;
	v23 =	vor.u32 s5, v1;
	s5 =	sadd.s32 $0xFFFFFFFB, s30;
	v25 =	vor.u32 s3, v1;
	s3 =	sadd.s32 $0xFFFFFFEA, s0;
	[tilespmem:v21+s26+$0x0] =	vst.idx.add.f32.msk $0xffff, v22;
	v21 =	vadd.s32 v2, v35  }
0xf8: {  	s9 =	sadd.s32 $0xFFFFFFEC, s0;
	s7 =	sadd.s32 $0xFFFFFFED, s0;
	v22 =	vor.u32 s6, v1;
	s6 =	sadd.s32 $0xFFFFFFEE, s0;
	v38 =	vor.u32 s5, v1;
	v35 =	vbroadcast v24, $0x0;
	v37 =	vld.idx.msk [tilespmem:v17+s24+$0x0], $0xffff  }
0xf9: {  	s5 =	sadd.s32 $0xFFFFFFEF, s0;
	v17 =	vor.u32 s3, v1;
	s3 =	sadd.s32 $0xFFFFFFF0, s0;
	v39 =	vbroadcast v33, $0x0;
	v40 =	vbroadcast v33, $0x1;
	v31 =	vld.idx.msk [tilespmem:v31+s24+$0x0], $0xffff  }
0xfa: {  	s10 =	sadd.s32 $0xFFFFFFF2, s0;
	v42 =	vbroadcast v33, $0x3;
	v41 =	vld.idx.msk [tilespmem:v27+s24+$0x0], $0xffff;
	v27 =	vbroadcast v33, $0x2;
	v35 =	vadd.s32 v2, v35  }
0xfb: {  	v43 =	vor.u32 s10, v1;
	v39 =	vadd.s32 v2, v39;
	v40 =	vadd.s32 v2, v40;
	[tilespmem:v6+s26+$0x0] =	vst.idx.add.f32.msk $0xffff, v29  }
0xfc: {  	v42 =	vadd.s32 v2, v42;
	v44 =	vadd.s32 v2, v27;
	[tilespmem:v21+s26+$0x0] =	vst.idx.add.f32.msk $0xffff, v36;
	v21 =	vbroadcast v3, $0xA  }
0xfd: {  	v29 =	vbroadcast v33, $0x5;
	v6 =	vmovc v20;
	v27 =	vbroadcast v33, $0x4;
	v36 =	vor.u32 s8, v1;
	v38 =	vld.idx.msk [tilespmem:v38+s24+$0x0], $0xffff  }
0xfe: {  	v45 =	vbroadcast v33, $0x7;
	v20 =	vbroadcast v33, $0x6;
	s8 =	sadd.s32 $0xFFFFFFFC, s30;
	[tilespmem:v19+s26+$0x0] =	vst.idx.add.f32.msk $0xffff, v37;
	v37 =	vadd.s32 v2, v21  }
0xff: {  	v46 =	vadd.s32 v2, v27;
	v19 =	vbroadcast v24, $0x1;
	[tilespmem:v35+s26+$0x0] =	vst.idx.add.f32.msk $0xffff, v31;
	v35 =	vor.u32 s8, v1  }
0x100: {  	v27 =	vadd.s32 v2, v45;
	v31 =	vadd.s32 v2, v29;
	v29 =	vadd.s32 v2, v20;
	v20 =	vld.idx.msk [tilespmem:v43+s24+$0x0], $0xffff  }
0x101: {  	v21 =	vbroadcast v33, $0x8;
	s8 =	sadd.s32 $0xFFFFFFF3, s0;
	[tilespmem:v39+s26+$0x0] =	vst.idx.add.f32.msk $0xffff, v41;
	v39 =	vbroadcast v33, $0x9;
	v41 =	vadd.s32 v2, v19  }
0x102: {  	v45 =	vor.u32 s9, v1;
	v47 =	vor.u32 s8, v1;
	v43 =	vld.idx.msk [tilespmem:v32+s24+$0x0], $0xffff;
	v32 =	vbroadcast v33, $0xA  }
0x103: {  	v21 =	vadd.s32 v2, v21;
	v19 =	vadd.s32 v2, v39;
	[tilespmem:v37+s26+$0x0] =	vst.idx.add.f32.msk $0xffff, v38;
	v37 =	vbroadcast v3, $0xB  }
0x104: {  	v39 =	vor.u32 s7, v1;
	v38 =	vadd.s32 v2, v32;
	v32 =	vbroadcast v33, $0xB;
	v35 =	vld.idx.msk [tilespmem:v35+s24+$0x0], $0xffff  }
0x105: {  	v49 =	vor.u32 s6, v1;
	s6 =	sadd.s32 $0xFFFFFFFD, s30;
	v48 =	vbroadcast v33, $0xC;
	v50 =	vld.idx.msk [tilespmem:v11+s24+$0x0], $0xffff;
	v37 =	vadd.s32 v2, v37;
	v11 =	vmovc v36  }
0x106: {  	v36 =	vadd.s32 v2, v32;
	[tilespmem:v41+s26+$0x0] =	vst.idx.add.f32.msk $0xffff, v20;
	v20 =	vbroadcast v24, $0x2;
	v41 =	vor.u32 s6, v1  }
0x107: {  	v51 =	vbroadcast v33, $0xD;
	v48 =	vadd.s32 v2, v48;
	v32 =	vor.u32 s5, v1;
	v47 =	vld.idx.msk [tilespmem:v47+s24+$0x0], $0xffff  }
0x108: {  	[tilespmem:v40+s26+$0x0] =	vst.idx.add.f32.msk $0xffff, v43;
	v40 =	vbroadcast v33, $0xE;
	v43 =	vor.u32 s3, v1;
	v52 =	vadd.s32 v2, v20;
	s3 =	sadd.s32 $0xFFFFFFF4, s0  }
0x109: {  	v51 =	vadd.s32 v2, v51;
	v33 =	vbroadcast v33, $0xF;
	v34 =	vld.idx.msk [tilespmem:v34+s24+$0x0], $0xffff;
	v53 =	vor.u32 s3, v1  }
0x10a: {  	v20 =	vadd.s32 v2, v40;
	[tilespmem:v37+s26+$0x0] =	vst.idx.add.f32.msk $0xffff, v35;
	v35 =	vbroadcast v3, $0xC  }
0x10b: {  	v33 =	vadd.s32 v2, v33;
	v37 =	vld.idx.msk [tilespmem:v41+s24+$0x0], $0xffff  }
0x10c: {  	s3 =	sadd.s32 $0xFFFFFFFE, s30;
	[tilespmem:v18+s26+$0x0] =	vst.idx.add.f32.msk $0xffff, v50;
	v35 =	vadd.s32 v2, v35;
	v18 =	vmov v38  }
0x10d: {  	v40 =	vor.u32 s3, v1;
	v38 =	vbroadcast v24, $0x3;
	[tilespmem:v52+s26+$0x0] =	vst.idx.add.f32.msk $0xffff, v47  }
0x10e: {  	v41 =	vld.idx.msk [tilespmem:v53+s24+$0x0], $0xffff  }
0x10f: {  	s3 =	sadd.s32 $0xFFFFFFF5, s0;
	[tilespmem:v44+s26+$0x0] =	vst.idx.add.f32.msk $0xffff, v34;
	v34 =	vadd.s32 v2, v38  }
0x110: {  	v38 =	vor.u32 s3, v1;
	v30 =	vld.idx.msk [tilespmem:v30+s24+$0x0], $0xffff  }
0x111: {  	[tilespmem:v35+s26+$0x0] =	vst.idx.add.f32.msk $0xffff, v37;
	v35 =	vbroadcast v3, $0xD  }
0x112: {  	v37 =	vld.idx.msk [tilespmem:v40+s24+$0x0], $0xffff  }
0x113: {  	s3 =	sadd.s32 $0xFFFFFFFF, s30;
	v40 =	vld.idx.msk [tilespmem:v13+s24+$0x0], $0xffff;
	v35 =	vadd.s32 v2, v35;
	v13 =	vmov v45  }
0x114: {  	[tilespmem:v34+s26+$0x0] =	vst.idx.add.f32.msk $0xffff, v41;
	v34 =	vbroadcast v24, $0x4;
	v41 =	vor.u32 s3, v1  }
0x115: {  	v38 =	vld.idx.msk [tilespmem:v38+s24+$0x0], $0xffff  }
0x116: {  	s3 =	sadd.s32 $0xFFFFFFF6, s0;
	[tilespmem:v42+s26+$0x0] =	vst.idx.add.f32.msk $0xffff, v30;
	v30 =	vadd.s32 v2, v34  }
0x117: {  	v34 =	vor.u32 s3, v1;
	v28 =	vld.idx.msk [tilespmem:v28+s24+$0x0], $0xffff  }
0x118: {  	[tilespmem:v35+s26+$0x0] =	vst.idx.add.f32.msk $0xffff, v37;
	v35 =	vbroadcast v3, $0xE  }
0x119: {  	v37 =	vld.idx.msk [tilespmem:v41+s24+$0x0], $0xffff  }
0x11a: {  	[tilespmem:v16+s26+$0x0] =	vst.idx.add.f32.msk $0xffff, v40;
	v35 =	vadd.s32 v2, v35;
	v16 =	vmov v36  }
0x11b: {  	v36 =	vor.u32 s30, v1;
	s30 =	smov.u32 s0;
	[tilespmem:v30+s26+$0x0] =	vst.idx.add.f32.msk $0xffff, v38;
	v30 =	vbroadcast v24, $0x5  }
0x11c: {  	v34 =	vld.idx.msk [tilespmem:v34+s24+$0x0], $0xffff  }
0x11d: {  	s3 =	sadd.s32 $0xFFFFFFF7, s0;
	[tilespmem:v46+s26+$0x0] =	vst.idx.add.f32.msk $0xffff, v28;
	v28 =	vadd.s32 v2, v30  }
0x11e: {  	v30 =	vor.u32 s3, v1;
	v26 =	vld.idx.msk [tilespmem:v26+s24+$0x0], $0xffff  }
0x11f: {  	[tilespmem:v35+s26+$0x0] =	vst.idx.add.f32.msk $0xffff, v37;
	v35 =	vbroadcast v3, $0xF;
	v3 =	vmov v24  }
0x120: {  	v24 =	vld.idx.msk [tilespmem:v36+s24+$0x0], $0xffff  }
0x121: {  	v36 =	vld.idx.msk [tilespmem:v14+s24+$0x0], $0xffff;
	v35 =	vadd.s32 v2, v35;
	v14 =	vmov v39  }
0x122: {  	[tilespmem:v28+s26+$0x0] =	vst.idx.add.f32.msk $0xffff, v34;
	v28 =	vbroadcast v3, $0x6  }
0x123: {  	v30 =	vld.idx.msk [tilespmem:v30+s24+$0x0], $0xffff  }
0x124: {  	s3 =	sadd.s32 $0xFFFFFFF8, s0;
	[tilespmem:v31+s26+$0x0] =	vst.idx.add.f32.msk $0xffff, v26;
	v26 =	vadd.s32 v2, v28  }
0x125: {  	v28 =	vor.u32 s3, v1;
	v25 =	vld.idx.msk [tilespmem:v25+s24+$0x0], $0xffff  }
0x126: {  	[tilespmem:v35+s26+$0x0] =	vst.idx.add.f32.msk $0xffff, v24  }
0x127: {  	[tilespmem:v12+s26+$0x0] =	vst.idx.add.f32.msk $0xffff, v36;
	v12 =	vmov v48  }
0x128: {  	v24 =	vld.idx.msk [tilespmem:v8+s24+$0x0], $0xffff;
	v8 =	vmov v49  }
0x129: {  	[tilespmem:v26+s26+$0x0] =	vst.idx.add.f32.msk $0xffff, v30;
	v26 =	vbroadcast v3, $0x7  }
0x12a: {  	v28 =	vld.idx.msk [tilespmem:v28+s24+$0x0], $0xffff  }
0x12b: {  	s3 =	sadd.s32 $0xFFFFFFF9, s0;
	[tilespmem:v29+s26+$0x0] =	vst.idx.add.f32.msk $0xffff, v25;
	v25 =	vadd.s32 v2, v26  }
0x12c: {  	v26 =	vld.idx.msk [tilespmem:v23+s24+$0x0], $0xffff;
	v23 =	vor.u32 s3, v1  }
0x12d: {  	v30 =	vld.idx.msk [tilespmem:v4+s24+$0x0], $0xffff;
	v4 =	vmov v7;
	v7 =	vmov v43  }
0x12e: {  	[tilespmem:v15+s26+$0x0] =	vst.idx.add.f32.msk $0xffff, v24;
	v15 =	vmov v51  }
0x12f: {  	v29 =	vld.idx.msk [tilespmem:v9+s24+$0x0], $0xffff;
	v9 =	vmov v32  }
.Ltmp1:
0x130: {  	v24 =	vbroadcast v3, $0x8;
	[tilespmem:v25+s26+$0x0] =	vst.idx.add.f32.msk $0xffff, v28;
	(pc) =	sbr.rel @p0 .LBB2_4-.Ltmp1, $4  }
0x131: {  	v23 =	vld.idx.msk [tilespmem:v23+s24+$0x0], $0xffff  }
0x132: {  	s3 =	sadd.s32 $0xFFFFFFFA, s0;
	[tilespmem:v27+s26+$0x0] =	vst.idx.add.f32.msk $0xffff, v26;
	v26 =	vadd.s32 v2, v24  }
0x133: {  	v25 =	vor.u32 s3, v1;
	v22 =	vld.idx.msk [tilespmem:v22+s24+$0x0], $0xffff  }
0x134: {  	s2 =	sadd.s32 $0x20, s2;
	s0 =	sadd.s32 $0x20, s0;
	[tilespmem:v5+s26+$0x0] =	vst.idx.add.f32.msk $0xffff, v30;
	v5 =	vmov v10;
	v10 =	vmov v33  }
0x135: {  	_ =	sdelay $0x2  }
0x136: {  	v24 =	vbroadcast v3, $0x9  }
0x137: {  	[tilespmem:v26+s26+$0x0] =	vst.idx.add.f32.msk $0xffff, v23  }
0x138: {  	s0 =	sadd.s32 $0xFFFFFFFB, s30;
	v23 =	vld.idx.msk [tilespmem:v25+s24+$0x0], $0xffff;
	v24 =	vadd.s32 v2, v24  }
0x139: {  	v49 =	vor.u32 s0, v1;
	[tilespmem:v21+s26+$0x0] =	vst.idx.add.f32.msk $0xffff, v22  }
0x13a: {  	v17 =	vld.idx.msk [tilespmem:v17+s24+$0x0], $0xffff;
	_ =	sdelay $0x1  }
0x13b: {  	v50 =	vbroadcast v3, $0xA  }
0x13c: {  	[tilespmem:v24+s26+$0x0] =	vst.idx.add.f32.msk $0xffff, v23  }
0x13d: {  	s8 =	sadd.s32 $0xFFFFFFFC, s30;
	v21 =	vadd.s32 v2, v50;
	v51 =	vld.idx.msk [tilespmem:v49+s24+$0x0], $0xffff  }
0x13e: {  	v52 =	vor.u32 s8, v1;
	[tilespmem:v19+s26+$0x0] =	vst.idx.add.f32.msk $0xffff, v17  }
0x13f: {  	v11 =	vld.idx.msk [tilespmem:v11+s24+$0x0], $0xffff;
	_ =	sdelay $0x1  }
0x140: {  	v53 =	vbroadcast v3, $0xB  }
0x141: {  	[tilespmem:v21+s26+$0x0] =	vst.idx.add.f32.msk $0xffff, v51  }
0x142: {  	s9 =	sadd.s32 $0xFFFFFFFD, s30;
	v17 =	vadd.s32 v2, v53;
	v54 =	vld.idx.msk [tilespmem:v52+s24+$0x0], $0xffff  }
0x143: {  	v55 =	vor.u32 s9, v1;
	[tilespmem:v18+s26+$0x0] =	vst.idx.add.f32.msk $0xffff, v11  }
0x144: {  	v11 =	vld.idx.msk [tilespmem:v13+s24+$0x0], $0xffff;
	_ =	sdelay $0x1  }
0x145: {  	v56 =	vbroadcast v3, $0xC  }
0x146: {  	[tilespmem:v17+s26+$0x0] =	vst.idx.add.f32.msk $0xffff, v54  }
0x147: {  	s10 =	sadd.s32 $0xFFFFFFFE, s30;
	v13 =	vadd.s32 v2, v56;
	v17 =	vld.idx.msk [tilespmem:v55+s24+$0x0], $0xffff  }
0x148: {  	v57 =	vor.u32 s10, v1;
	[tilespmem:v16+s26+$0x0] =	vst.idx.add.f32.msk $0xffff, v11  }
0x149: {  	v11 =	vld.idx.msk [tilespmem:v14+s24+$0x0], $0xffff;
	_ =	sdelay $0x1  }
0x14a: {  	v58 =	vbroadcast v3, $0xD  }
0x14b: {  	[tilespmem:v13+s26+$0x0] =	vst.idx.add.f32.msk $0xffff, v17  }
0x14c: {  	s31 =	sadd.s32 $0xFFFFFFFF, s30;
	v14 =	vadd.s32 v2, v58;
	v13 =	vld.idx.msk [tilespmem:v57+s24+$0x0], $0xffff  }
0x14d: {  	v59 =	vor.u32 s31, v1;
	[tilespmem:v12+s26+$0x0] =	vst.idx.add.f32.msk $0xffff, v11  }
0x14e: {  	v8 =	vld.idx.msk [tilespmem:v8+s24+$0x0], $0xffff;
	_ =	sdelay $0x1  }
0x14f: {  	v60 =	vbroadcast v3, $0xE  }
0x150: {  	[tilespmem:v14+s26+$0x0] =	vst.idx.add.f32.msk $0xffff, v13  }
0x151: {  	v11 =	vadd.s32 v2, v60;
	v61 =	vld.idx.msk [tilespmem:v59+s24+$0x0], $0xffff  }
0x152: {  	v62 =	vor.u32 s30, v1;
	[tilespmem:v15+s26+$0x0] =	vst.idx.add.f32.msk $0xffff, v8  }
0x153: {  	v8 =	vld.idx.msk [tilespmem:v9+s24+$0x0], $0xffff  }
0x154: {  	[tilespmem:v6+s26+$0x0] =	vst.idx.add.f32.msk $0xffff, v29  }
0x155: {  	v4 =	vld.idx.msk [tilespmem:v4+s24+$0x0], $0xffff  }
0x156: {  	v3 =	vbroadcast v3, $0xF;
	[tilespmem:v11+s26+$0x0] =	vst.idx.add.f32.msk $0xffff, v61  }
0x157: {  	v63 =	vld.idx.msk [tilespmem:v62+s24+$0x0], $0xffff  }
0x158: {  	v3 =	vadd.s32 v2, v3;
	[tilespmem:v20+s26+$0x0] =	vst.idx.add.f32.msk $0xffff, v8  }
0x159: {  	v7 =	vld.idx.msk [tilespmem:v7+s24+$0x0], $0xffff;
	_ =	sdelay $0x2  }
0x15a: {  	s29 =	sadd.s32 $0x1, s29;
	[tilespmem:v5+s26+$0x0] =	vst.idx.add.f32.msk $0xffff, v4  }
0x15b: {  	p0 =	sne.s32 s29, s21;
	[tilespmem:v3+s26+$0x0] =	vst.idx.add.f32.msk $0xffff, v63  }
.Ltmp2:
0x15c: {  	s8 =	simm.s32 $0x0;
	[tilespmem:v10+s26+$0x0] =	vst.idx.add.f32.msk $0xffff, v7;
	(pc) =	sbr.rel @p0 .LBB2_1-.Ltmp2, $4  }
0x15d: {  	[hbm4b:s20+s8] =	stream.linear.scatter [tilespmem:s26], [sflag:$0x3], $0x4000, $0x38;
	[tilespmem:$0xC800] =	vst v63  }
0x15e: {  	_ =	swait.ge [sflag:s28], $0x4000  }
0x15f: {  	[sflag:s28] =	ssyncset.done $0x0  }
0x160: {  	[sflag:s28] =	ssyncadd.s32 $0xFFFFC000  }
0x161: {  	_ =	sfence.sel $0x180000  }
0x162: {  	[bflag:$0x0] =	sbarrier.arrive $0xFFFF  }
0x163: {  	_ =	strace $0x90000047  }
0x164: {  	s0 =	stileid.u32;
	[bflag:$0x2] =	sbarrier.arrive $0xFFFF  }
0x165: {  	p0 =	sne.s32 s0, $0x0;
	s0 =	rddreg [dreg:$0x2]  }
0x166: {  	s0 =	sadd.s32 @!p0 $0x100000, s0  }
0x167: {  	[sflag:s0] =	ssyncadd.tile.s32 @!p0 $0x1;
	_ =	shalt  }
.Lfunc_end2:
_tile_overlayer_lowered:
.L_overlay_start_2:
0x168: {  	(tag) =	ssettag $0x2  }
0x169: {  	s0 =	rddreg [dreg:$0x0];
	s2 =	stileid.u32  }
0x16a: {  	s1 =	rddreg [dreg:$0x1];
	p0 =	sne.s32 s2, $0x0  }
0x16b: {  	s3 =	rddreg [dreg:$0x2];
	[bflag:$0x3] =	sbarrier.arrive $0xFFFF;
	s2 =	simm.s32 @!p0 $0x1C03  }
0x16c: {  	[timem:s3], [sflag:s2] =	dma.local @!p0 [hbm:s0], s1  }
0x16d: {  	s0 =	simm.s32 @!p0 $0x3  }
0x16e: {  	_ =	swait.ge @!p0 [sflag:s0], s1  }
0x16f: {  	s1 =	ssub.s32 @!p0 $0x0, s1;
	[sflag:s0] =	ssyncset.done @!p0 $0x0  }
0x170: {  	[sflag:s0] =	ssyncadd.s32 @!p0 s1  }
0x171: {  	[bflag:$0x3] =	sbarrier.arrive $0xFFFF  }
0x172: {  	_ =	shalt  }

</sc_bundles>
